<compile_context>
chip_gen: v7x
topology: tpu7x:2x2x1
jax: 0.10.2.dev20260603
libtpu: 0.0.44.dev20260713+nightly
codegen_flags: <defaults>
</compile_context>

<pallas_src>
import functools

import jax
import jax.numpy as jnp
from jax import lax
from jax.experimental import pallas as pl
from jax.experimental.pallas import tpu as pltpu
from jax.experimental.pallas import tpu_sc as plsc

B = 4096
L = 50
LP = 56
D = 300
DP = 384
NPAIR = 2 * B
NW = 32
PAIRS_PER_W = NPAIR // NW
OUT_SLAB = 128
_NCHUNK = 304 // 16

_PAD_ROWS = 1024
VOCAB = 100000


def _pad_body(in_ref, out_ref):
    y = jnp.transpose(in_ref[...], (1, 0))
    out_ref[...] = jnp.concatenate(
        [y, jnp.zeros((_PAD_ROWS, DP - D), jnp.float32)], axis=1)


_pad_table = pl.pallas_call(
    _pad_body,
    grid=((VOCAB + _PAD_ROWS - 1) // _PAD_ROWS,),
    in_specs=[pl.BlockSpec((D, _PAD_ROWS), lambda i: (0, i))],
    out_specs=pl.BlockSpec((_PAD_ROWS, DP), lambda i: (i, 0)),
    out_shape=jax.ShapeDtypeStruct((VOCAB, DP), jnp.float32),
)


def _sc_body(idx_hbm, embed_hbm, out_hbm, idx_v, rows0, rows1, out_v,
             sem0, sem1):
    nc = 2
    wid = lax.axis_index("s") * nc + lax.axis_index("c")
    base = wid * PAIRS_PER_W
    pltpu.sync_copy(idx_hbm.at[pl.ds(base, PAIRS_PER_W)], idx_v)

    bufs = (rows0, rows1)
    sems = (sem0, sem1)

    def start(p, b):
        pltpu.async_copy(embed_hbm.at[idx_v.at[p]], bufs[b], sems[b])

    start(0, 0)
    start(1, 1)

    @pl.loop(0, PAIRS_PER_W // 2)
    def _grp(g):
        for b in range(2):
            p = 2 * g + b
            rows_v = bufs[b]
            pltpu.make_async_copy(
                embed_hbm.at[idx_v.at[p]], rows_v, sems[b]).wait()

            def row_max(i, acc, rows_v=rows_v):
                return tuple(
                    jnp.maximum(a, rows_v[i, pl.ds(16 * k, 16)])
                    for k, a in enumerate(acc)
                )

            acc0 = tuple(rows_v[0, pl.ds(16 * k, 16)] for k in range(_NCHUNK))
            acc = lax.fori_loop(1, LP, row_max, acc0)
            r = lax.rem(p, OUT_SLAB)
            for k, a in enumerate(acc):
                out_v[r, pl.ds(16 * k, 16)] = a

            @pl.when(p + 2 < PAIRS_PER_W)
            def _():
                start(p + 2, b)

            @pl.when(r == OUT_SLAB - 1)
            def _():
                slab = p // OUT_SLAB
                pltpu.sync_copy(
                    out_v,
                    out_hbm.at[pl.ds(base + slab * OUT_SLAB, OUT_SLAB)])


@functools.cache
def _gather_maxpool():
    return functools.partial(
        pl.kernel,
        out_type=jax.ShapeDtypeStruct((NPAIR, DP), jnp.float32),
        mesh=plsc.VectorSubcoreMesh(core_axis_name="c", subcore_axis_name="s"),
        scratch_types=[
            pltpu.VMEM((PAIRS_PER_W, LP), jnp.int32),
            pltpu.VMEM((LP, DP), jnp.float32),
            pltpu.VMEM((LP, DP), jnp.float32),
            pltpu.VMEM((OUT_SLAB, DP), jnp.float32),
            pltpu.SemaphoreType.DMA,
            pltpu.SemaphoreType.DMA,
        ],
        compiler_params=pltpu.CompilerParams(use_tc_tiling_on_sc=True),
    )(_sc_body)


def _head_body(pooled_ref, wc_ref, wr_ref, b_ref, lab_ref, loss_ref, logits_ref):
    dn = (((1,), (0,)), ((), ()))
    logits = (
        lax.dot_general(pooled_ref[0:B, 0:D], wc_ref[...], dn,
                        preferred_element_type=jnp.float32)
        + lax.dot_general(pooled_ref[B:NPAIR, 0:D], wr_ref[...], dn,
                          preferred_element_type=jnp.float32)
        + b_ref[...]
    )
    m = jnp.max(logits, axis=1, keepdims=True)
    e = jnp.exp(logits - m)
    lse = m + jnp.log(jnp.sum(e, axis=1, keepdims=True))
    picked = jnp.where(lab_ref[...] == 0, logits[:, 0:1], logits[:, 1:2])
    loss_ref[...] = jnp.sum(lse - picked, axis=0, keepdims=True) * (1.0 / B)
    logits_ref[...] = logits


_head = pl.pallas_call(
    _head_body,
    out_shape=(
        jax.ShapeDtypeStruct((1, 1), jnp.float32),
        jax.ShapeDtypeStruct((B, 2), jnp.float32),
    ),
)


def kernel(claims, reasons, label_ids, embed, W, b):
    idx = jnp.concatenate([claims, reasons], axis=0).astype(jnp.int32)
    idx = jnp.concatenate(
        [idx, jnp.broadcast_to(idx[:, :1], (NPAIR, LP - L))], axis=1)
    embed_p = _pad_table(embed.T)
    pooled = _gather_maxpool()(idx, embed_p)
    loss, logits = _head(
        pooled,
        W[:D],
        W[D:],
        b.reshape(1, 2),
        label_ids.reshape(B, 1).astype(jnp.int32),
    )
    return loss.reshape(()), logits

# --- scband reference (transcript-rebuilt; emitter-appended) ---
"""Pipeline reference for scband-bov-cr-53206054863513 (READ-ONLY COPY).

The authoritative reference and input builder live on the scoring server;
editing this copy changes nothing except your own understanding.
"""

import jax, jax.numpy as jnp
import numpy as np

VOCAB = 100000
DIM = 300
B = 4096
L = 50


def setup_inputs(seed: int = 0) -> dict:
    key = jax.random.key(seed)
    k1, k2, k3, k4, k5 = jax.random.split(key, 5)
    claims = jax.random.randint(k1, (B, L), 0, VOCAB, dtype=jnp.int64 if jax.config.jax_enable_x64 else jnp.int32)
    reasons = jax.random.randint(k2, (B, L), 0, VOCAB, dtype=jnp.int64 if jax.config.jax_enable_x64 else jnp.int32)
    label_ids = jax.random.randint(k3, (B,), 0, 2, dtype=jnp.int64 if jax.config.jax_enable_x64 else jnp.int32)
    embed = jax.random.normal(k4, (VOCAB, DIM), dtype=jnp.float32) * 0.02
    W = jax.random.normal(k5, (2 * DIM, 2), dtype=jnp.float32) * 0.05
    b = jnp.zeros((2,), dtype=jnp.float32)
    return {"claims": claims, "reasons": reasons, "label_ids": label_ids,
            "embed": embed, "W": W, "b": b}


def reference(claims, reasons, label_ids, embed, W, b):
    # embedding lookup (gather)
    c = jnp.take(embed, claims, axis=0)   # [B, L, D]
    r = jnp.take(embed, reasons, axis=0)  # [B, L, D]
    # max-pool over sequence dim (torch.max(., dim=1)[0])
    c = jnp.max(c, axis=1)                # [B, D]
    r = jnp.max(r, axis=1)                # [B, D]
    x = jnp.concatenate([c, r], axis=1)   # [B, 2D]
    # dropout is identity in eval mode
    logits = x @ W + b                    # [B, 2]
    # CrossEntropyLoss (mean reduction)
    logp = jax.nn.log_softmax(logits, axis=-1)
    nll = -jnp.take_along_axis(logp, label_ids[:, None], axis=1)[:, 0]
    loss = jnp.mean(nll)
    return (loss, logits)

if __name__ == "__main__":
    import jax
    _d = setup_inputs()
    print(jax.jit(kernel)(*tuple(_d.values())))

</pallas_src>

<mosaic_0001>
#map = affine_map<(d0, d1) -> (0, 0)>
module attributes {stable_mosaic.version = 14 : i64} {
  func.func @_sc_body(%arg0: i32, %arg1: i32, %arg2: memref<8192x56xi32, #tpu.memory_space<hbm>>, %arg3: memref<100000x384xf32, #tpu.memory_space<hbm>>, %arg4: memref<8192x384xf32, #tpu.memory_space<hbm>>, %arg5: memref<256x56xi32, #tpu.memory_space<vmem>>, %arg6: memref<56x384xf32, #tpu.memory_space<vmem>>, %arg7: memref<56x384xf32, #tpu.memory_space<vmem>>, %arg8: memref<128x384xf32, #tpu.memory_space<vmem>>, %arg9: memref<!tpu.dma_semaphore, #tpu.memory_space<semaphore_mem>>, %arg10: memref<!tpu.dma_semaphore, #tpu.memory_space<semaphore_mem>>) attributes {dimension_semantics = [#tpu.dimension_semantics<core_parallel>, #tpu.dimension_semantics<subcore_parallel>], iteration_bounds = array<i64: 2, 16>, scalar_prefetch = 0 : i64, scratch_operands = 6 : i64, tpu.core_type = #tpu.core_type<sc_vector_subcore>, window_params = [{transform_indices = #map}, {transform_indices = #map}, {transform_indices = #map}]} {
    %mul3A = arith.constant 2 : i32
    %mul3A_0 = arith.muli %arg1, %mul3A : i32
    %add3A = arith.addi %mul3A_0, %arg0 : i32
    %mul3A_1 = arith.constant 256 : i32
    %mul3A_2 = arith.muli %add3A, %mul3A_1 : i32
    "tpu.region"() ({
      %run_scoped3A = tpu.sem_alloc : memref<!tpu.dma_semaphore, #tpu.memory_space<semaphore_mem>>
      %dma_start3A_20 = arith.constant 0 : i32
      %dma_start3A_21 = tpu.memref_slice %arg2[%mul3A_2, %dma_start3A_20] : memref<8192x56xi32, #tpu.memory_space<hbm>> -> memref<256x56xi32, #tpu.memory_space<hbm>>
      %dma_start3A_22 = arith.constant 0 : i32
      %dma_start3A_23 = tpu.memref_slice %arg2[%mul3A_2, %dma_start3A_22] : memref<8192x56xi32, #tpu.memory_space<hbm>> -> memref<256x56xi32, #tpu.memory_space<hbm>>
      tpu.enqueue_dma source(%dma_start3A_23 : memref<256x56xi32, #tpu.memory_space<hbm>>) target(%arg5 : memref<256x56xi32, #tpu.memory_space<vmem>>) target_semaphore(%run_scoped3A : memref<!tpu.dma_semaphore, #tpu.memory_space<semaphore_mem>>)
      %dma_wait3A = arith.constant 0 : i32
      %dma_wait3A_24 = tpu.memref_slice %arg2[%mul3A_2, %dma_wait3A] : memref<8192x56xi32, #tpu.memory_space<hbm>> -> memref<256x56xi32, #tpu.memory_space<hbm>>
      %dma_wait3A_25 = arith.constant 0 : i32
      %dma_wait3A_26 = tpu.memref_slice %arg2[%mul3A_2, %dma_wait3A_25] : memref<8192x56xi32, #tpu.memory_space<hbm>> -> memref<256x56xi32, #tpu.memory_space<hbm>>
      tpu.wait_dma2 semaphore(%run_scoped3A : memref<!tpu.dma_semaphore, #tpu.memory_space<semaphore_mem>>) src(%dma_wait3A_26 : memref<256x56xi32, #tpu.memory_space<hbm>>) dst(%arg5 : memref<256x56xi32, #tpu.memory_space<vmem>>)
      tpu.yield
    }) : () -> ()
    %dma_start3A = arith.constant 0 : i32
    %dma_start3A_3 = arith.constant 0 : i32
    %dma_start3A_4 = tpu.memref_slice %arg5[%dma_start3A, %dma_start3A_3] : memref<256x56xi32, #tpu.memory_space<vmem>> -> memref<1x56xi32, #tpu.memory_space<vmem>>
    %dma_start3A_5 = tpu.memref_squeeze %dma_start3A_4 : memref<1x56xi32, #tpu.memory_space<vmem>> -> memref<56xi32, #tpu.memory_space<vmem>>
    %dma_start3A_6 = arith.constant 0 : i32
    %dma_start3A_7 = arith.constant 0 : i32
    %dma_start3A_8 = tpu.memref_slice %arg3[%dma_start3A_6, %dma_start3A_7] : memref<100000x384xf32, #tpu.memory_space<hbm>> -> memref<100000x384xf32, #tpu.memory_space<hbm>>
    tpu.enqueue_indirect_dma source(%dma_start3A_8 : memref<100000x384xf32, #tpu.memory_space<hbm>>) target(%arg6 : memref<56x384xf32, #tpu.memory_space<vmem>>) offsets(%dma_start3A_5 : memref<56xi32, #tpu.memory_space<vmem>>) semaphore(%arg9 : memref<!tpu.dma_semaphore, #tpu.memory_space<semaphore_mem>>)
    %dma_start3A_9 = arith.constant 1 : i32
    %dma_start3A_10 = arith.constant 0 : i32
    %dma_start3A_11 = tpu.memref_slice %arg5[%dma_start3A_9, %dma_start3A_10] : memref<256x56xi32, #tpu.memory_space<vmem>> -> memref<1x56xi32, #tpu.memory_space<vmem>>
    %dma_start3A_12 = tpu.memref_squeeze %dma_start3A_11 : memref<1x56xi32, #tpu.memory_space<vmem>> -> memref<56xi32, #tpu.memory_space<vmem>>
    %dma_start3A_13 = arith.constant 0 : i32
    %dma_start3A_14 = arith.constant 0 : i32
    %dma_start3A_15 = tpu.memref_slice %arg3[%dma_start3A_13, %dma_start3A_14] : memref<100000x384xf32, #tpu.memory_space<hbm>> -> memref<100000x384xf32, #tpu.memory_space<hbm>>
    tpu.enqueue_indirect_dma source(%dma_start3A_15 : memref<100000x384xf32, #tpu.memory_space<hbm>>) target(%arg7 : memref<56x384xf32, #tpu.memory_space<vmem>>) offsets(%dma_start3A_12 : memref<56xi32, #tpu.memory_space<vmem>>) semaphore(%arg10 : memref<!tpu.dma_semaphore, #tpu.memory_space<semaphore_mem>>)
    %scan3A = arith.constant 0 : i32
    %scan3A_16 = arith.constant 128 : i32
    %scan3A_17 = arith.addi %scan3A, %scan3A_16 : i32
    %scan3A_18 = arith.constant 1 : i32
    scf.for %scan3A_20 = %scan3A to %scan3A_17 step %scan3A_18  : i32 {
      %mul3A_21 = arith.constant 1 : i32
      %mul3A_22 = arith.muli %scan3A_20, %mul3A_21 : i32
      %add3A_23 = arith.constant 0 : i32
      %add3A_24 = arith.addi %add3A_23, %mul3A_22 : i32
      %mul3A_25 = arith.constant 2 : i32
      %mul3A_26 = arith.muli %mul3A_25, %add3A_24 : i32
      %add3A_27 = arith.constant 0 : i32
      %add3A_28 = arith.addi %mul3A_26, %add3A_27 : i32
      %dma_wait3A = arith.constant 0 : i32
      %dma_wait3A_29 = tpu.memref_slice %arg5[%add3A_28, %dma_wait3A] : memref<256x56xi32, #tpu.memory_space<vmem>> -> memref<1x56xi32, #tpu.memory_space<vmem>>
      %dma_wait3A_30 = tpu.memref_squeeze %dma_wait3A_29 : memref<1x56xi32, #tpu.memory_space<vmem>> -> memref<56xi32, #tpu.memory_space<vmem>>
      %dma_wait3A_31 = arith.constant 0 : i32
      %dma_wait3A_32 = arith.constant 0 : i32
      %dma_wait3A_33 = tpu.memref_slice %arg3[%dma_wait3A_31, %dma_wait3A_32] : memref<100000x384xf32, #tpu.memory_space<hbm>> -> memref<100000x384xf32, #tpu.memory_space<hbm>>
      tpu.wait_indirect_dma semaphore(%arg9 : memref<!tpu.dma_semaphore, #tpu.memory_space<semaphore_mem>>) src(%dma_wait3A_33 : memref<100000x384xf32, #tpu.memory_space<hbm>>) dst(%arg6 : memref<56x384xf32, #tpu.memory_space<vmem>>)
      %get3A = arith.constant 0 : i32
      %get3A_34 = arith.index_cast %get3A : i32 to index
      %get3A_35 = arith.constant 0 : index
      %get3A_36 = tpu.vector_load %arg6[%get3A_34, %get3A_35] {strides = array<i32>} : memref<56x384xf32, #tpu.memory_space<vmem>>, vector<1x16xf32>,
      %get3A_37 = vector.shape_cast %get3A_36 : vector<1x16xf32> to vector<16xf32>
      %get3A_38 = arith.constant 0 : i32
      %get3A_39 = arith.index_cast %get3A_38 : i32 to index
      %get3A_40 = arith.constant 16 : index
      %get3A_41 = tpu.vector_load %arg6[%get3A_39, %get3A_40] {strides = array<i32>} : memref<56x384xf32, #tpu.memory_space<vmem>>, vector<1x16xf32>,
      %get3A_42 = vector.shape_cast %get3A_41 : vector<1x16xf32> to vector<16xf32>
      %get3A_43 = arith.constant 0 : i32
      %get3A_44 = arith.index_cast %get3A_43 : i32 to index
      %get3A_45 = arith.constant 32 : index
      %get3A_46 = tpu.vector_load %arg6[%get3A_44, %get3A_45] {strides = array<i32>} : memref<56x384xf32, #tpu.memory_space<vmem>>, vector<1x16xf32>,
      %get3A_47 = vector.shape_cast %get3A_46 : vector<1x16xf32> to vector<16xf32>
      %get3A_48 = arith.constant 0 : i32
      %get3A_49 = arith.index_cast %get3A_48 : i32 to index
      %get3A_50 = arith.constant 48 : index
      %get3A_51 = tpu.vector_load %arg6[%get3A_49, %get3A_50] {strides = array<i32>} : memref<56x384xf32, #tpu.memory_space<vmem>>, vector<1x16xf32>,
      %get3A_52 = vector.shape_cast %get3A_51 : vector<1x16xf32> to vector<16xf32>
      %get3A_53 = arith.constant 0 : i32
      %get3A_54 = arith.index_cast %get3A_53 : i32 to index
      %get3A_55 = arith.constant 64 : index
      %get3A_56 = tpu.vector_load %arg6[%get3A_54, %get3A_55] {strides = array<i32>} : memref<56x384xf32, #tpu.memory_space<vmem>>, vector<1x16xf32>,
      %get3A_57 = vector.shape_cast %get3A_56 : vector<1x16xf32> to vector<16xf32>
      %get3A_58 = arith.constant 0 : i32
      %get3A_59 = arith.index_cast %get3A_58 : i32 to index
      %get3A_60 = arith.constant 80 : index
      %get3A_61 = tpu.vector_load %arg6[%get3A_59, %get3A_60] {strides = array<i32>} : memref<56x384xf32, #tpu.memory_space<vmem>>, vector<1x16xf32>,
      %get3A_62 = vector.shape_cast %get3A_61 : vector<1x16xf32> to vector<16xf32>
      %get3A_63 = arith.constant 0 : i32
      %get3A_64 = arith.index_cast %get3A_63 : i32 to index
      %get3A_65 = arith.constant 96 : index
      %get3A_66 = tpu.vector_load %arg6[%get3A_64, %get3A_65] {strides = array<i32>} : memref<56x384xf32, #tpu.memory_space<vmem>>, vector<1x16xf32>,
      %get3A_67 = vector.shape_cast %get3A_66 : vector<1x16xf32> to vector<16xf32>
      %get3A_68 = arith.constant 0 : i32
      %get3A_69 = arith.index_cast %get3A_68 : i32 to index
      %get3A_70 = arith.constant 112 : index
      %get3A_71 = tpu.vector_load %arg6[%get3A_69, %get3A_70] {strides = array<i32>} : memref<56x384xf32, #tpu.memory_space<vmem>>, vector<1x16xf32>,
      %get3A_72 = vector.shape_cast %get3A_71 : vector<1x16xf32> to vector<16xf32>
      %get3A_73 = arith.constant 0 : i32
      %get3A_74 = arith.index_cast %get3A_73 : i32 to index
      %get3A_75 = arith.constant 128 : index
      %get3A_76 = tpu.vector_load %arg6[%get3A_74, %get3A_75] {strides = array<i32>} : memref<56x384xf32, #tpu.memory_space<vmem>>, vector<1x16xf32>,
      %get3A_77 = vector.shape_cast %get3A_76 : vector<1x16xf32> to vector<16xf32>
      %get3A_78 = arith.constant 0 : i32
      %get3A_79 = arith.index_cast %get3A_78 : i32 to index
      %get3A_80 = arith.constant 144 : index
      %get3A_81 = tpu.vector_load %arg6[%get3A_79, %get3A_80] {strides = array<i32>} : memref<56x384xf32, #tpu.memory_space<vmem>>, vector<1x16xf32>,
      %get3A_82 = vector.shape_cast %get3A_81 : vector<1x16xf32> to vector<16xf32>
      %get3A_83 = arith.constant 0 : i32
      %get3A_84 = arith.index_cast %get3A_83 : i32 to index
      %get3A_85 = arith.constant 160 : index
      %get3A_86 = tpu.vector_load %arg6[%get3A_84, %get3A_85] {strides = array<i32>} : memref<56x384xf32, #tpu.memory_space<vmem>>, vector<1x16xf32>,
      %get3A_87 = vector.shape_cast %get3A_86 : vector<1x16xf32> to vector<16xf32>
      %get3A_88 = arith.constant 0 : i32
      %get3A_89 = arith.index_cast %get3A_88 : i32 to index
      %get3A_90 = arith.constant 176 : index
      %get3A_91 = tpu.vector_load %arg6[%get3A_89, %get3A_90] {strides = array<i32>} : memref<56x384xf32, #tpu.memory_space<vmem>>, vector<1x16xf32>,
      %get3A_92 = vector.shape_cast %get3A_91 : vector<1x16xf32> to vector<16xf32>
      %get3A_93 = arith.constant 0 : i32
      %get3A_94 = arith.index_cast %get3A_93 : i32 to index
      %get3A_95 = arith.constant 192 : index
      %get3A_96 = tpu.vector_load %arg6[%get3A_94, %get3A_95] {strides = array<i32>} : memref<56x384xf32, #tpu.memory_space<vmem>>, vector<1x16xf32>,
      %get3A_97 = vector.shape_cast %get3A_96 : vector<1x16xf32> to vector<16xf32>
      %get3A_98 = arith.constant 0 : i32
      %get3A_99 = arith.index_cast %get3A_98 : i32 to index
      %get3A_100 = arith.constant 208 : index
      %get3A_101 = tpu.vector_load %arg6[%get3A_99, %get3A_100] {strides = array<i32>} : memref<56x384xf32, #tpu.memory_space<vmem>>, vector<1x16xf32>,
      %get3A_102 = vector.shape_cast %get3A_101 : vector<1x16xf32> to vector<16xf32>
      %get3A_103 = arith.constant 0 : i32
      %get3A_104 = arith.index_cast %get3A_103 : i32 to index
      %get3A_105 = arith.constant 224 : index
      %get3A_106 = tpu.vector_load %arg6[%get3A_104, %get3A_105] {strides = array<i32>} : memref<56x384xf32, #tpu.memory_space<vmem>>, vector<1x16xf32>,
      %get3A_107 = vector.shape_cast %get3A_106 : vector<1x16xf32> to vector<16xf32>
      %get3A_108 = arith.constant 0 : i32
      %get3A_109 = arith.index_cast %get3A_108 : i32 to index
      %get3A_110 = arith.constant 240 : index
      %get3A_111 = tpu.vector_load %arg6[%get3A_109, %get3A_110] {strides = array<i32>} : memref<56x384xf32, #tpu.memory_space<vmem>>, vector<1x16xf32>,
      %get3A_112 = vector.shape_cast %get3A_111 : vector<1x16xf32> to vector<16xf32>
      %get3A_113 = arith.constant 0 : i32
      %get3A_114 = arith.index_cast %get3A_113 : i32 to index
      %get3A_115 = arith.constant 256 : index
      %get3A_116 = tpu.vector_load %arg6[%get3A_114, %get3A_115] {strides = array<i32>} : memref<56x384xf32, #tpu.memory_space<vmem>>, vector<1x16xf32>,
      %get3A_117 = vector.shape_cast %get3A_116 : vector<1x16xf32> to vector<16xf32>
      %get3A_118 = arith.constant 0 : i32
      %get3A_119 = arith.index_cast %get3A_118 : i32 to index
      %get3A_120 = arith.constant 272 : index
      %get3A_121 = tpu.vector_load %arg6[%get3A_119, %get3A_120] {strides = array<i32>} : memref<56x384xf32, #tpu.memory_space<vmem>>, vector<1x16xf32>,
      %get3A_122 = vector.shape_cast %get3A_121 : vector<1x16xf32> to vector<16xf32>
      %get3A_123 = arith.constant 0 : i32
      %get3A_124 = arith.index_cast %get3A_123 : i32 to index
      %get3A_125 = arith.constant 288 : index
      %get3A_126 = tpu.vector_load %arg6[%get3A_124, %get3A_125] {strides = array<i32>} : memref<56x384xf32, #tpu.memory_space<vmem>>, vector<1x16xf32>,
      %get3A_127 = vector.shape_cast %get3A_126 : vector<1x16xf32> to vector<16xf32>
      %scan3A_128 = arith.constant 1 : i32
      %scan3A_129 = arith.constant 55 : i32
      %scan3A_130 = arith.addi %scan3A_128, %scan3A_129 : i32
      %scan3A_131 = arith.constant 1 : i32
      %scan3A_132:19 = scf.for %scan3A_457 = %scan3A_128 to %scan3A_130 step %scan3A_131 iter_args(%scan3A_458 = %get3A_37, %scan3A_459 = %get3A_42, %scan3A_460 = %get3A_47, %scan3A_461 = %get3A_52, %scan3A_462 = %get3A_57, %scan3A_463 = %get3A_62, %scan3A_464 = %get3A_67, %scan3A_465 = %get3A_72, %scan3A_466 = %get3A_77, %scan3A_467 = %get3A_82, %scan3A_468 = %get3A_87, %scan3A_469 = %get3A_92, %scan3A_470 = %get3A_97, %scan3A_471 = %get3A_102, %scan3A_472 = %get3A_107, %scan3A_473 = %get3A_112, %scan3A_474 = %get3A_117, %scan3A_475 = %get3A_122, %scan3A_476 = %get3A_127) -> (vector<16xf32>, vector<16xf32>, vector<16xf32>, vector<16xf32>, vector<16xf32>, vector<16xf32>, vector<16xf32>, vector<16xf32>, vector<16xf32>, vector<16xf32>, vector<16xf32>, vector<16xf32>, vector<16xf32>, vector<16xf32>, vector<16xf32>, vector<16xf32>, vector<16xf32>, vector<16xf32>, vector<16xf32>)  : i32 {
        %get3A_477 = arith.index_cast %scan3A_457 : i32 to index
        %get3A_478 = arith.constant 0 : index
        %get3A_479 = tpu.vector_load %arg6[%get3A_477, %get3A_478] {strides = array<i32>} : memref<56x384xf32, #tpu.memory_space<vmem>>, vector<1x16xf32>,
        %get3A_480 = vector.shape_cast %get3A_479 : vector<1x16xf32> to vector<16xf32>
        %max3A = arith.maximumf %scan3A_458, %get3A_480 : vector<16xf32>
        %get3A_481 = arith.index_cast %scan3A_457 : i32 to index
        %get3A_482 = arith.constant 16 : index
        %get3A_483 = tpu.vector_load %arg6[%get3A_481, %get3A_482] {strides = array<i32>} : memref<56x384xf32, #tpu.memory_space<vmem>>, vector<1x16xf32>,
        %get3A_484 = vector.shape_cast %get3A_483 : vector<1x16xf32> to vector<16xf32>
        %max3A_485 = arith.maximumf %scan3A_459, %get3A_484 : vector<16xf32>
        %get3A_486 = arith.index_cast %scan3A_457 : i32 to index
        %get3A_487 = arith.constant 32 : index
        %get3A_488 = tpu.vector_load %arg6[%get3A_486, %get3A_487] {strides = array<i32>} : memref<56x384xf32, #tpu.memory_space<vmem>>, vector<1x16xf32>,
        %get3A_489 = vector.shape_cast %get3A_488 : vector<1x16xf32> to vector<16xf32>
        %max3A_490 = arith.maximumf %scan3A_460, %get3A_489 : vector<16xf32>
        %get3A_491 = arith.index_cast %scan3A_457 : i32 to index
        %get3A_492 = arith.constant 48 : index
        %get3A_493 = tpu.vector_load %arg6[%get3A_491, %get3A_492] {strides = array<i32>} : memref<56x384xf32, #tpu.memory_space<vmem>>, vector<1x16xf32>,
        %get3A_494 = vector.shape_cast %get3A_493 : vector<1x16xf32> to vector<16xf32>
        %max3A_495 = arith.maximumf %scan3A_461, %get3A_494 : vector<16xf32>
        %get3A_496 = arith.index_cast %scan3A_457 : i32 to index
        %get3A_497 = arith.constant 64 : index
        %get3A_498 = tpu.vector_load %arg6[%get3A_496, %get3A_497] {strides = array<i32>} : memref<56x384xf32, #tpu.memory_space<vmem>>, vector<1x16xf32>,
        %get3A_499 = vector.shape_cast %get3A_498 : vector<1x16xf32> to vector<16xf32>
        %max3A_500 = arith.maximumf %scan3A_462, %get3A_499 : vector<16xf32>
        %get3A_501 = arith.index_cast %scan3A_457 : i32 to index
        %get3A_502 = arith.constant 80 : index
        %get3A_503 = tpu.vector_load %arg6[%get3A_501, %get3A_502] {strides = array<i32>} : memref<56x384xf32, #tpu.memory_space<vmem>>, vector<1x16xf32>,
        %get3A_504 = vector.shape_cast %get3A_503 : vector<1x16xf32> to vector<16xf32>
        %max3A_505 = arith.maximumf %scan3A_463, %get3A_504 : vector<16xf32>
        %get3A_506 = arith.index_cast %scan3A_457 : i32 to index
        %get3A_507 = arith.constant 96 : index
        %get3A_508 = tpu.vector_load %arg6[%get3A_506, %get3A_507] {strides = array<i32>} : memref<56x384xf32, #tpu.memory_space<vmem>>, vector<1x16xf32>,
        %get3A_509 = vector.shape_cast %get3A_508 : vector<1x16xf32> to vector<16xf32>
        %max3A_510 = arith.maximumf %scan3A_464, %get3A_509 : vector<16xf32>
        %get3A_511 = arith.index_cast %scan3A_457 : i32 to index
        %get3A_512 = arith.constant 112 : index
        %get3A_513 = tpu.vector_load %arg6[%get3A_511, %get3A_512] {strides = array<i32>} : memref<56x384xf32, #tpu.memory_space<vmem>>, vector<1x16xf32>,
        %get3A_514 = vector.shape_cast %get3A_513 : vector<1x16xf32> to vector<16xf32>
        %max3A_515 = arith.maximumf %scan3A_465, %get3A_514 : vector<16xf32>
        %get3A_516 = arith.index_cast %scan3A_457 : i32 to index
        %get3A_517 = arith.constant 128 : index
        %get3A_518 = tpu.vector_load %arg6[%get3A_516, %get3A_517] {strides = array<i32>} : memref<56x384xf32, #tpu.memory_space<vmem>>, vector<1x16xf32>,
        %get3A_519 = vector.shape_cast %get3A_518 : vector<1x16xf32> to vector<16xf32>
        %max3A_520 = arith.maximumf %scan3A_466, %get3A_519 : vector<16xf32>
        %get3A_521 = arith.index_cast %scan3A_457 : i32 to index
        %get3A_522 = arith.constant 144 : index
        %get3A_523 = tpu.vector_load %arg6[%get3A_521, %get3A_522] {strides = array<i32>} : memref<56x384xf32, #tpu.memory_space<vmem>>, vector<1x16xf32>,
        %get3A_524 = vector.shape_cast %get3A_523 : vector<1x16xf32> to vector<16xf32>
        %max3A_525 = arith.maximumf %scan3A_467, %get3A_524 : vector<16xf32>
        %get3A_526 = arith.index_cast %scan3A_457 : i32 to index
        %get3A_527 = arith.constant 160 : index
        %get3A_528 = tpu.vector_load %arg6[%get3A_526, %get3A_527] {strides = array<i32>} : memref<56x384xf32, #tpu.memory_space<vmem>>, vector<1x16xf32>,
        %get3A_529 = vector.shape_cast %get3A_528 : vector<1x16xf32> to vector<16xf32>
        %max3A_530 = arith.maximumf %scan3A_468, %get3A_529 : vector<16xf32>
        %get3A_531 = arith.index_cast %scan3A_457 : i32 to index
        %get3A_532 = arith.constant 176 : index
        %get3A_533 = tpu.vector_load %arg6[%get3A_531, %get3A_532] {strides = array<i32>} : memref<56x384xf32, #tpu.memory_space<vmem>>, vector<1x16xf32>,
        %get3A_534 = vector.shape_cast %get3A_533 : vector<1x16xf32> to vector<16xf32>
        %max3A_535 = arith.maximumf %scan3A_469, %get3A_534 : vector<16xf32>
        %get3A_536 = arith.index_cast %scan3A_457 : i32 to index
        %get3A_537 = arith.constant 192 : index
        %get3A_538 = tpu.vector_load %arg6[%get3A_536, %get3A_537] {strides = array<i32>} : memref<56x384xf32, #tpu.memory_space<vmem>>, vector<1x16xf32>,
        %get3A_539 = vector.shape_cast %get3A_538 : vector<1x16xf32> to vector<16xf32>
        %max3A_540 = arith.maximumf %scan3A_470, %get3A_539 : vector<16xf32>
        %get3A_541 = arith.index_cast %scan3A_457 : i32 to index
        %get3A_542 = arith.constant 208 : index
        %get3A_543 = tpu.vector_load %arg6[%get3A_541, %get3A_542] {strides = array<i32>} : memref<56x384xf32, #tpu.memory_space<vmem>>, vector<1x16xf32>,
        %get3A_544 = vector.shape_cast %get3A_543 : vector<1x16xf32> to vector<16xf32>
        %max3A_545 = arith.maximumf %scan3A_471, %get3A_544 : vector<16xf32>
        %get3A_546 = arith.index_cast %scan3A_457 : i32 to index
        %get3A_547 = arith.constant 224 : index
        %get3A_548 = tpu.vector_load %arg6[%get3A_546, %get3A_547] {strides = array<i32>} : memref<56x384xf32, #tpu.memory_space<vmem>>, vector<1x16xf32>,
        %get3A_549 = vector.shape_cast %get3A_548 : vector<1x16xf32> to vector<16xf32>
        %max3A_550 = arith.maximumf %scan3A_472, %get3A_549 : vector<16xf32>
        %get3A_551 = arith.index_cast %scan3A_457 : i32 to index
        %get3A_552 = arith.constant 240 : index
        %get3A_553 = tpu.vector_load %arg6[%get3A_551, %get3A_552] {strides = array<i32>} : memref<56x384xf32, #tpu.memory_space<vmem>>, vector<1x16xf32>,
        %get3A_554 = vector.shape_cast %get3A_553 : vector<1x16xf32> to vector<16xf32>
        %max3A_555 = arith.maximumf %scan3A_473, %get3A_554 : vector<16xf32>
        %get3A_556 = arith.index_cast %scan3A_457 : i32 to index
        %get3A_557 = arith.constant 256 : index
        %get3A_558 = tpu.vector_load %arg6[%get3A_556, %get3A_557] {strides = array<i32>} : memref<56x384xf32, #tpu.memory_space<vmem>>, vector<1x16xf32>,
        %get3A_559 = vector.shape_cast %get3A_558 : vector<1x16xf32> to vector<16xf32>
        %max3A_560 = arith.maximumf %scan3A_474, %get3A_559 : vector<16xf32>
        %get3A_561 = arith.index_cast %scan3A_457 : i32 to index
        %get3A_562 = arith.constant 272 : index
        %get3A_563 = tpu.vector_load %arg6[%get3A_561, %get3A_562] {strides = array<i32>} : memref<56x384xf32, #tpu.memory_space<vmem>>, vector<1x16xf32>,
        %get3A_564 = vector.shape_cast %get3A_563 : vector<1x16xf32> to vector<16xf32>
        %max3A_565 = arith.maximumf %scan3A_475, %get3A_564 : vector<16xf32>
        %get3A_566 = arith.index_cast %scan3A_457 : i32 to index
        %get3A_567 = arith.constant 288 : index
        %get3A_568 = tpu.vector_load %arg6[%get3A_566, %get3A_567] {strides = array<i32>} : memref<56x384xf32, #tpu.memory_space<vmem>>, vector<1x16xf32>,
        %get3A_569 = vector.shape_cast %get3A_568 : vector<1x16xf32> to vector<16xf32>
        %max3A_570 = arith.maximumf %scan3A_476, %get3A_569 : vector<16xf32>
        scf.yield %max3A, %max3A_485, %max3A_490, %max3A_495, %max3A_500, %max3A_505, %max3A_510, %max3A_515, %max3A_520, %max3A_525, %max3A_530, %max3A_535, %max3A_540, %max3A_545, %max3A_550, %max3A_555, %max3A_560, %max3A_565, %max3A_570 : vector<16xf32>, vector<16xf32>, vector<16xf32>, vector<16xf32>, vector<16xf32>, vector<16xf32>, vector<16xf32>, vector<16xf32>, vector<16xf32>, vector<16xf32>, vector<16xf32>, vector<16xf32>, vector<16xf32>, vector<16xf32>, vector<16xf32>, vector<16xf32>, vector<16xf32>, vector<16xf32>, vector<16xf32>
      }
      %scan3A_133 = arith.constant 55 : i32
      %rem3A = arith.constant 128 : i32
      %rem3A_134 = arith.remsi %add3A_28, %rem3A : i32
      %swap3A = arith.index_cast %rem3A_134 : i32 to index
      %swap3A_135 = arith.constant 0 : index
      %swap3A_136 = tpu.vector_load %arg8[%swap3A, %swap3A_135] {strides = array<i32>} : memref<128x384xf32, #tpu.memory_space<vmem>>, vector<1x16xf32>,
      %swap3A_137 = vector.shape_cast %swap3A_136 : vector<1x16xf32> to vector<16xf32>
      %swap3A_138 = vector.shape_cast %scan3A_132#0 : vector<16xf32> to vector<1x16xf32>
      tpu.vector_store %arg8[%swap3A, %swap3A_135], %swap3A_138 {strides = array<i32>} : memref<128x384xf32, #tpu.memory_space<vmem>>, vector<1x16xf32>,
      %swap3A_139 = arith.index_cast %rem3A_134 : i32 to index
      %swap3A_140 = arith.constant 16 : index
      %swap3A_141 = tpu.vector_load %arg8[%swap3A_139, %swap3A_140] {strides = array<i32>} : memref<128x384xf32, #tpu.memory_space<vmem>>, vector<1x16xf32>,
      %swap3A_142 = vector.shape_cast %swap3A_141 : vector<1x16xf32> to vector<16xf32>
      %swap3A_143 = vector.shape_cast %scan3A_132#1 : vector<16xf32> to vector<1x16xf32>
      tpu.vector_store %arg8[%swap3A_139, %swap3A_140], %swap3A_143 {strides = array<i32>} : memref<128x384xf32, #tpu.memory_space<vmem>>, vector<1x16xf32>,
      %swap3A_144 = arith.index_cast %rem3A_134 : i32 to index
      %swap3A_145 = arith.constant 32 : index
      %swap3A_146 = tpu.vector_load %arg8[%swap3A_144, %swap3A_145] {strides = array<i32>} : memref<128x384xf32, #tpu.memory_space<vmem>>, vector<1x16xf32>,
      %swap3A_147 = vector.shape_cast %swap3A_146 : vector<1x16xf32> to vector<16xf32>
      %swap3A_148 = vector.shape_cast %scan3A_132#2 : vector<16xf32> to vector<1x16xf32>
      tpu.vector_store %arg8[%swap3A_144, %swap3A_145], %swap3A_148 {strides = array<i32>} : memref<128x384xf32, #tpu.memory_space<vmem>>, vector<1x16xf32>,
      %swap3A_149 = arith.index_cast %rem3A_134 : i32 to index
      %swap3A_150 = arith.constant 48 : index
      %swap3A_151 = tpu.vector_load %arg8[%swap3A_149, %swap3A_150] {strides = array<i32>} : memref<128x384xf32, #tpu.memory_space<vmem>>, vector<1x16xf32>,
      %swap3A_152 = vector.shape_cast %swap3A_151 : vector<1x16xf32> to vector<16xf32>
      %swap3A_153 = vector.shape_cast %scan3A_132#3 : vector<16xf32> to vector<1x16xf32>
      tpu.vector_store %arg8[%swap3A_149, %swap3A_150], %swap3A_153 {strides = array<i32>} : memref<128x384xf32, #tpu.memory_space<vmem>>, vector<1x16xf32>,
      %swap3A_154 = arith.index_cast %rem3A_134 : i32 to index
      %swap3A_155 = arith.constant 64 : index
      %swap3A_156 = tpu.vector_load %arg8[%swap3A_154, %swap3A_155] {strides = array<i32>} : memref<128x384xf32, #tpu.memory_space<vmem>>, vector<1x16xf32>,
      %swap3A_157 = vector.shape_cast %swap3A_156 : vector<1x16xf32> to vector<16xf32>
      %swap3A_158 = vector.shape_cast %scan3A_132#4 : vector<16xf32> to vector<1x16xf32>
      tpu.vector_store %arg8[%swap3A_154, %swap3A_155], %swap3A_158 {strides = array<i32>} : memref<128x384xf32, #tpu.memory_space<vmem>>, vector<1x16xf32>,
      %swap3A_159 = arith.index_cast %rem3A_134 : i32 to index
      %swap3A_160 = arith.constant 80 : index
      %swap3A_161 = tpu.vector_load %arg8[%swap3A_159, %swap3A_160] {strides = array<i32>} : memref<128x384xf32, #tpu.memory_space<vmem>>, vector<1x16xf32>,
      %swap3A_162 = vector.shape_cast %swap3A_161 : vector<1x16xf32> to vector<16xf32>
      %swap3A_163 = vector.shape_cast %scan3A_132#5 : vector<16xf32> to vector<1x16xf32>
      tpu.vector_store %arg8[%swap3A_159, %swap3A_160], %swap3A_163 {strides = array<i32>} : memref<128x384xf32, #tpu.memory_space<vmem>>, vector<1x16xf32>,
      %swap3A_164 = arith.index_cast %rem3A_134 : i32 to index
      %swap3A_165 = arith.constant 96 : index
      %swap3A_166 = tpu.vector_load %arg8[%swap3A_164, %swap3A_165] {strides = array<i32>} : memref<128x384xf32, #tpu.memory_space<vmem>>, vector<1x16xf32>,
      %swap3A_167 = vector.shape_cast %swap3A_166 : vector<1x16xf32> to vector<16xf32>
      %swap3A_168 = vector.shape_cast %scan3A_132#6 : vector<16xf32> to vector<1x16xf32>
      tpu.vector_store %arg8[%swap3A_164, %swap3A_165], %swap3A_168 {strides = array<i32>} : memref<128x384xf32, #tpu.memory_space<vmem>>, vector<1x16xf32>,
      %swap3A_169 = arith.index_cast %rem3A_134 : i32 to index
      %swap3A_170 = arith.constant 112 : index
      %swap3A_171 = tpu.vector_load %arg8[%swap3A_169, %swap3A_170] {strides = array<i32>} : memref<128x384xf32, #tpu.memory_space<vmem>>, vector<1x16xf32>,
      %swap3A_172 = vector.shape_cast %swap3A_171 : vector<1x16xf32> to vector<16xf32>
      %swap3A_173 = vector.shape_cast %scan3A_132#7 : vector<16xf32> to vector<1x16xf32>
      tpu.vector_store %arg8[%swap3A_169, %swap3A_170], %swap3A_173 {strides = array<i32>} : memref<128x384xf32, #tpu.memory_space<vmem>>, vector<1x16xf32>,
      %swap3A_174 = arith.index_cast %rem3A_134 : i32 to index
      %swap3A_175 = arith.constant 128 : index
      %swap3A_176 = tpu.vector_load %arg8[%swap3A_174, %swap3A_175] {strides = array<i32>} : memref<128x384xf32, #tpu.memory_space<vmem>>, vector<1x16xf32>,
      %swap3A_177 = vector.shape_cast %swap3A_176 : vector<1x16xf32> to vector<16xf32>
      %swap3A_178 = vector.shape_cast %scan3A_132#8 : vector<16xf32> to vector<1x16xf32>
      tpu.vector_store %arg8[%swap3A_174, %swap3A_175], %swap3A_178 {strides = array<i32>} : memref<128x384xf32, #tpu.memory_space<vmem>>, vector<1x16xf32>,
      %swap3A_179 = arith.index_cast %rem3A_134 : i32 to index
      %swap3A_180 = arith.constant 144 : index
      %swap3A_181 = tpu.vector_load %arg8[%swap3A_179, %swap3A_180] {strides = array<i32>} : memref<128x384xf32, #tpu.memory_space<vmem>>, vector<1x16xf32>,
      %swap3A_182 = vector.shape_cast %swap3A_181 : vector<1x16xf32> to vector<16xf32>
      %swap3A_183 = vector.shape_cast %scan3A_132#9 : vector<16xf32> to vector<1x16xf32>
      tpu.vector_store %arg8[%swap3A_179, %swap3A_180], %swap3A_183 {strides = array<i32>} : memref<128x384xf32, #tpu.memory_space<vmem>>, vector<1x16xf32>,
      %swap3A_184 = arith.index_cast %rem3A_134 : i32 to index
      %swap3A_185 = arith.constant 160 : index
      %swap3A_186 = tpu.vector_load %arg8[%swap3A_184, %swap3A_185] {strides = array<i32>} : memref<128x384xf32, #tpu.memory_space<vmem>>, vector<1x16xf32>,
      %swap3A_187 = vector.shape_cast %swap3A_186 : vector<1x16xf32> to vector<16xf32>
      %swap3A_188 = vector.shape_cast %scan3A_132#10 : vector<16xf32> to vector<1x16xf32>
      tpu.vector_store %arg8[%swap3A_184, %swap3A_185], %swap3A_188 {strides = array<i32>} : memref<128x384xf32, #tpu.memory_space<vmem>>, vector<1x16xf32>,
      %swap3A_189 = arith.index_cast %rem3A_134 : i32 to index
      %swap3A_190 = arith.constant 176 : index
      %swap3A_191 = tpu.vector_load %arg8[%swap3A_189, %swap3A_190] {strides = array<i32>} : memref<128x384xf32, #tpu.memory_space<vmem>>, vector<1x16xf32>,
      %swap3A_192 = vector.shape_cast %swap3A_191 : vector<1x16xf32> to vector<16xf32>
      %swap3A_193 = vector.shape_cast %scan3A_132#11 : vector<16xf32> to vector<1x16xf32>
      tpu.vector_store %arg8[%swap3A_189, %swap3A_190], %swap3A_193 {strides = array<i32>} : memref<128x384xf32, #tpu.memory_space<vmem>>, vector<1x16xf32>,
      %swap3A_194 = arith.index_cast %rem3A_134 : i32 to index
      %swap3A_195 = arith.constant 192 : index
      %swap3A_196 = tpu.vector_load %arg8[%swap3A_194, %swap3A_195] {strides = array<i32>} : memref<128x384xf32, #tpu.memory_space<vmem>>, vector<1x16xf32>,
      %swap3A_197 = vector.shape_cast %swap3A_196 : vector<1x16xf32> to vector<16xf32>
      %swap3A_198 = vector.shape_cast %scan3A_132#12 : vector<16xf32> to vector<1x16xf32>
      tpu.vector_store %arg8[%swap3A_194, %swap3A_195], %swap3A_198 {strides = array<i32>} : memref<128x384xf32, #tpu.memory_space<vmem>>, vector<1x16xf32>,
      %swap3A_199 = arith.index_cast %rem3A_134 : i32 to index
      %swap3A_200 = arith.constant 208 : index
      %swap3A_201 = tpu.vector_load %arg8[%swap3A_199, %swap3A_200] {strides = array<i32>} : memref<128x384xf32, #tpu.memory_space<vmem>>, vector<1x16xf32>,
      %swap3A_202 = vector.shape_cast %swap3A_201 : vector<1x16xf32> to vector<16xf32>
      %swap3A_203 = vector.shape_cast %scan3A_132#13 : vector<16xf32> to vector<1x16xf32>
      tpu.vector_store %arg8[%swap3A_199, %swap3A_200], %swap3A_203 {strides = array<i32>} : memref<128x384xf32, #tpu.memory_space<vmem>>, vector<1x16xf32>,
      %swap3A_204 = arith.index_cast %rem3A_134 : i32 to index
      %swap3A_205 = arith.constant 224 : index
      %swap3A_206 = tpu.vector_load %arg8[%swap3A_204, %swap3A_205] {strides = array<i32>} : memref<128x384xf32, #tpu.memory_space<vmem>>, vector<1x16xf32>,
      %swap3A_207 = vector.shape_cast %swap3A_206 : vector<1x16xf32> to vector<16xf32>
      %swap3A_208 = vector.shape_cast %scan3A_132#14 : vector<16xf32> to vector<1x16xf32>
      tpu.vector_store %arg8[%swap3A_204, %swap3A_205], %swap3A_208 {strides = array<i32>} : memref<128x384xf32, #tpu.memory_space<vmem>>, vector<1x16xf32>,
      %swap3A_209 = arith.index_cast %rem3A_134 : i32 to index
      %swap3A_210 = arith.constant 240 : index
      %swap3A_211 = tpu.vector_load %arg8[%swap3A_209, %swap3A_210] {strides = array<i32>} : memref<128x384xf32, #tpu.memory_space<vmem>>, vector<1x16xf32>,
      %swap3A_212 = vector.shape_cast %swap3A_211 : vector<1x16xf32> to vector<16xf32>
      %swap3A_213 = vector.shape_cast %scan3A_132#15 : vector<16xf32> to vector<1x16xf32>
      tpu.vector_store %arg8[%swap3A_209, %swap3A_210], %swap3A_213 {strides = array<i32>} : memref<128x384xf32, #tpu.memory_space<vmem>>, vector<1x16xf32>,
      %swap3A_214 = arith.index_cast %rem3A_134 : i32 to index
      %swap3A_215 = arith.constant 256 : index
      %swap3A_216 = tpu.vector_load %arg8[%swap3A_214, %swap3A_215] {strides = array<i32>} : memref<128x384xf32, #tpu.memory_space<vmem>>, vector<1x16xf32>,
      %swap3A_217 = vector.shape_cast %swap3A_216 : vector<1x16xf32> to vector<16xf32>
      %swap3A_218 = vector.shape_cast %scan3A_132#16 : vector<16xf32> to vector<1x16xf32>
      tpu.vector_store %arg8[%swap3A_214, %swap3A_215], %swap3A_218 {strides = array<i32>} : memref<128x384xf32, #tpu.memory_space<vmem>>, vector<1x16xf32>,
      %swap3A_219 = arith.index_cast %rem3A_134 : i32 to index
      %swap3A_220 = arith.constant 272 : index
      %swap3A_221 = tpu.vector_load %arg8[%swap3A_219, %swap3A_220] {strides = array<i32>} : memref<128x384xf32, #tpu.memory_space<vmem>>, vector<1x16xf32>,
      %swap3A_222 = vector.shape_cast %swap3A_221 : vector<1x16xf32> to vector<16xf32>
      %swap3A_223 = vector.shape_cast %scan3A_132#17 : vector<16xf32> to vector<1x16xf32>
      tpu.vector_store %arg8[%swap3A_219, %swap3A_220], %swap3A_223 {strides = array<i32>} : memref<128x384xf32, #tpu.memory_space<vmem>>, vector<1x16xf32>,
      %swap3A_224 = arith.index_cast %rem3A_134 : i32 to index
      %swap3A_225 = arith.constant 288 : index
      %swap3A_226 = tpu.vector_load %arg8[%swap3A_224, %swap3A_225] {strides = array<i32>} : memref<128x384xf32, #tpu.memory_space<vmem>>, vector<1x16xf32>,
      %swap3A_227 = vector.shape_cast %swap3A_226 : vector<1x16xf32> to vector<16xf32>
      %swap3A_228 = vector.shape_cast %scan3A_132#18 : vector<16xf32> to vector<1x16xf32>
      tpu.vector_store %arg8[%swap3A_224, %swap3A_225], %swap3A_228 {strides = array<i32>} : memref<128x384xf32, #tpu.memory_space<vmem>>, vector<1x16xf32>,
      %add3A_229 = arith.constant 2 : i32
      %add3A_230 = arith.addi %add3A_28, %add3A_229 : i32
      %lt3A = arith.constant 256 : i32
      %lt3A_231 = arith.cmpi slt, %add3A_230, %lt3A : i32
      %convert_element_type3A = arith.extui %lt3A_231 : i1 to i32
      %cond3A = arith.constant 0 : i32
      %cond3A_232 = arith.cmpi ne, %convert_element_type3A, %cond3A : i32
      scf.if %cond3A_232 {
        %add3A_457 = arith.constant 2 : i32
        %add3A_458 = arith.addi %add3A_28, %add3A_457 : i32
        %dma_start3A_459 = arith.constant 0 : i32
        %dma_start3A_460 = tpu.memref_slice %arg5[%add3A_458, %dma_start3A_459] : memref<256x56xi32, #tpu.memory_space<vmem>> -> memref<1x56xi32, #tpu.memory_space<vmem>>
        %dma_start3A_461 = tpu.memref_squeeze %dma_start3A_460 : memref<1x56xi32, #tpu.memory_space<vmem>> -> memref<56xi32, #tpu.memory_space<vmem>>
        %dma_start3A_462 = arith.constant 0 : i32
        %dma_start3A_463 = arith.constant 0 : i32
        %dma_start3A_464 = tpu.memref_slice %arg3[%dma_start3A_462, %dma_start3A_463] : memref<100000x384xf32, #tpu.memory_space<hbm>> -> memref<100000x384xf32, #tpu.memory_space<hbm>>
        tpu.enqueue_indirect_dma source(%dma_start3A_464 : memref<100000x384xf32, #tpu.memory_space<hbm>>) target(%arg6 : memref<56x384xf32, #tpu.memory_space<vmem>>) offsets(%dma_start3A_461 : memref<56xi32, #tpu.memory_space<vmem>>) semaphore(%arg9 : memref<!tpu.dma_semaphore, #tpu.memory_space<semaphore_mem>>)
      } else {
      }
      %eq3A = arith.constant 127 : i32
      %eq3A_233 = arith.cmpi eq, %rem3A_134, %eq3A : i32
      %convert_element_type3A_234 = arith.extui %eq3A_233 : i1 to i32
      %cond3A_235 = arith.constant 0 : i32
      %cond3A_236 = arith.cmpi ne, %convert_element_type3A_234, %cond3A_235 : i32
      scf.if %cond3A_236 {
        %jit3A = arith.constant 128 : i32
        %div3A = arith.divsi %add3A_28, %jit3A : i32
        %sign3A = arith.constant 0 : i32
        %sign3A_457 = arith.cmpi sgt, %add3A_28, %sign3A : i32
        %sign3A_458 = arith.extui %sign3A_457 : i1 to i32
        %sign3A_459 = arith.constant 0 : i32
        %sign3A_460 = arith.cmpi slt, %add3A_28, %sign3A_459 : i32
        %sign3A_461 = arith.extui %sign3A_460 : i1 to i32
        %sign3A_462 = arith.subi %sign3A_458, %sign3A_461 : i32
        %sign3A_463 = arith.constant 0 : i32
        %sign3A_464 = arith.cmpi sgt, %jit3A, %sign3A_463 : i32
        %sign3A_465 = arith.extui %sign3A_464 : i1 to i32
        %sign3A_466 = arith.constant 0 : i32
        %sign3A_467 = arith.cmpi slt, %jit3A, %sign3A_466 : i32
        %sign3A_468 = arith.extui %sign3A_467 : i1 to i32
        %sign3A_469 = arith.subi %sign3A_465, %sign3A_468 : i32
        %ne3A = arith.cmpi ne, %sign3A_462, %sign3A_469 : i32
        %rem3A_470 = arith.remsi %add3A_28, %jit3A : i32
        %ne3A_471 = arith.constant 0 : i32
        %ne3A_472 = arith.cmpi ne, %rem3A_470, %ne3A_471 : i32
        %and3A = arith.andi %ne3A, %ne3A_472 : i1
        %sub3A = arith.constant 1 : i32
        %sub3A_473 = arith.subi %div3A, %sub3A : i32
        %select_n3A = arith.select %and3A, %sub3A_473, %div3A : i32
        %mul3A_474 = arith.constant 128 : i32
        %mul3A_475 = arith.muli %select_n3A, %mul3A_474 : i32
        %add3A_476 = arith.addi %mul3A_2, %mul3A_475 : i32
        "tpu.region"() ({
          %run_scoped3A = tpu.sem_alloc : memref<!tpu.dma_semaphore, #tpu.memory_space<semaphore_mem>>
          %dma_start3A_477 = arith.constant 0 : i32
          %dma_start3A_478 = tpu.memref_slice %arg4[%add3A_476, %dma_start3A_477] : memref<8192x384xf32, #tpu.memory_space<hbm>> -> memref<128x384xf32, #tpu.memory_space<hbm>>
          %dma_start3A_479 = arith.constant 0 : i32
          %dma_start3A_480 = tpu.memref_slice %arg4[%add3A_476, %dma_start3A_479] : memref<8192x384xf32, #tpu.memory_space<hbm>> -> memref<128x384xf32, #tpu.memory_space<hbm>>
          tpu.enqueue_dma source(%arg8 : memref<128x384xf32, #tpu.memory_space<vmem>>) target(%dma_start3A_480 : memref<128x384xf32, #tpu.memory_space<hbm>>) target_semaphore(%run_scoped3A : memref<!tpu.dma_semaphore, #tpu.memory_space<semaphore_mem>>)
          %dma_wait3A_481 = arith.constant 0 : i32
          %dma_wait3A_482 = tpu.memref_slice %arg4[%add3A_476, %dma_wait3A_481] : memref<8192x384xf32, #tpu.memory_space<hbm>> -> memref<128x384xf32, #tpu.memory_space<hbm>>
          %dma_wait3A_483 = arith.constant 0 : i32
          %dma_wait3A_484 = tpu.memref_slice %arg4[%add3A_476, %dma_wait3A_483] : memref<8192x384xf32, #tpu.memory_space<hbm>> -> memref<128x384xf32, #tpu.memory_space<hbm>>
          tpu.wait_dma2 semaphore(%run_scoped3A : memref<!tpu.dma_semaphore, #tpu.memory_space<semaphore_mem>>) src(%arg8 : memref<128x384xf32, #tpu.memory_space<vmem>>) dst(%dma_wait3A_484 : memref<128x384xf32, #tpu.memory_space<hbm>>)
          tpu.yield
        }) : () -> ()
      } else {
      }
      %mul3A_237 = arith.constant 2 : i32
      %mul3A_238 = arith.muli %mul3A_237, %add3A_24 : i32
      %add3A_239 = arith.constant 1 : i32
      %add3A_240 = arith.addi %mul3A_238, %add3A_239 : i32
      %dma_wait3A_241 = arith.constant 0 : i32
      %dma_wait3A_242 = tpu.memref_slice %arg5[%add3A_240, %dma_wait3A_241] : memref<256x56xi32, #tpu.memory_space<vmem>> -> memref<1x56xi32, #tpu.memory_space<vmem>>
      %dma_wait3A_243 = tpu.memref_squeeze %dma_wait3A_242 : memref<1x56xi32, #tpu.memory_space<vmem>> -> memref<56xi32, #tpu.memory_space<vmem>>
      %dma_wait3A_244 = arith.constant 0 : i32
      %dma_wait3A_245 = arith.constant 0 : i32
      %dma_wait3A_246 = tpu.memref_slice %arg3[%dma_wait3A_244, %dma_wait3A_245] : memref<100000x384xf32, #tpu.memory_space<hbm>> -> memref<100000x384xf32, #tpu.memory_space<hbm>>
      tpu.wait_indirect_dma semaphore(%arg10 : memref<!tpu.dma_semaphore, #tpu.memory_space<semaphore_mem>>) src(%dma_wait3A_246 : memref<100000x384xf32, #tpu.memory_space<hbm>>) dst(%arg7 : memref<56x384xf32, #tpu.memory_space<vmem>>)
      %get3A_247 = arith.constant 0 : i32
      %get3A_248 = arith.index_cast %get3A_247 : i32 to index
      %get3A_249 = arith.constant 0 : index
      %get3A_250 = tpu.vector_load %arg7[%get3A_248, %get3A_249] {strides = array<i32>} : memref<56x384xf32, #tpu.memory_space<vmem>>, vector<1x16xf32>,
      %get3A_251 = vector.shape_cast %get3A_250 : vector<1x16xf32> to vector<16xf32>
      %get3A_252 = arith.constant 0 : i32
      %get3A_253 = arith.index_cast %get3A_252 : i32 to index
      %get3A_254 = arith.constant 16 : index
      %get3A_255 = tpu.vector_load %arg7[%get3A_253, %get3A_254] {strides = array<i32>} : memref<56x384xf32, #tpu.memory_space<vmem>>, vector<1x16xf32>,
      %get3A_256 = vector.shape_cast %get3A_255 : vector<1x16xf32> to vector<16xf32>
      %get3A_257 = arith.constant 0 : i32
      %get3A_258 = arith.index_cast %get3A_257 : i32 to index
      %get3A_259 = arith.constant 32 : index
      %get3A_260 = tpu.vector_load %arg7[%get3A_258, %get3A_259] {strides = array<i32>} : memref<56x384xf32, #tpu.memory_space<vmem>>, vector<1x16xf32>,
      %get3A_261 = vector.shape_cast %get3A_260 : vector<1x16xf32> to vector<16xf32>
      %get3A_262 = arith.constant 0 : i32
      %get3A_263 = arith.index_cast %get3A_262 : i32 to index
      %get3A_264 = arith.constant 48 : index
      %get3A_265 = tpu.vector_load %arg7[%get3A_263, %get3A_264] {strides = array<i32>} : memref<56x384xf32, #tpu.memory_space<vmem>>, vector<1x16xf32>,
      %get3A_266 = vector.shape_cast %get3A_265 : vector<1x16xf32> to vector<16xf32>
      %get3A_267 = arith.constant 0 : i32
      %get3A_268 = arith.index_cast %get3A_267 : i32 to index
      %get3A_269 = arith.constant 64 : index
      %get3A_270 = tpu.vector_load %arg7[%get3A_268, %get3A_269] {strides = array<i32>} : memref<56x384xf32, #tpu.memory_space<vmem>>, vector<1x16xf32>,
      %get3A_271 = vector.shape_cast %get3A_270 : vector<1x16xf32> to vector<16xf32>
      %get3A_272 = arith.constant 0 : i32
      %get3A_273 = arith.index_cast %get3A_272 : i32 to index
      %get3A_274 = arith.constant 80 : index
      %get3A_275 = tpu.vector_load %arg7[%get3A_273, %get3A_274] {strides = array<i32>} : memref<56x384xf32, #tpu.memory_space<vmem>>, vector<1x16xf32>,
      %get3A_276 = vector.shape_cast %get3A_275 : vector<1x16xf32> to vector<16xf32>
      %get3A_277 = arith.constant 0 : i32
      %get3A_278 = arith.index_cast %get3A_277 : i32 to index
      %get3A_279 = arith.constant 96 : index
      %get3A_280 = tpu.vector_load %arg7[%get3A_278, %get3A_279] {strides = array<i32>} : memref<56x384xf32, #tpu.memory_space<vmem>>, vector<1x16xf32>,
      %get3A_281 = vector.shape_cast %get3A_280 : vector<1x16xf32> to vector<16xf32>
      %get3A_282 = arith.constant 0 : i32
      %get3A_283 = arith.index_cast %get3A_282 : i32 to index
      %get3A_284 = arith.constant 112 : index
      %get3A_285 = tpu.vector_load %arg7[%get3A_283, %get3A_284] {strides = array<i32>} : memref<56x384xf32, #tpu.memory_space<vmem>>, vector<1x16xf32>,
      %get3A_286 = vector.shape_cast %get3A_285 : vector<1x16xf32> to vector<16xf32>
      %get3A_287 = arith.constant 0 : i32
      %get3A_288 = arith.index_cast %get3A_287 : i32 to index
      %get3A_289 = arith.constant 128 : index
      %get3A_290 = tpu.vector_load %arg7[%get3A_288, %get3A_289] {strides = array<i32>} : memref<56x384xf32, #tpu.memory_space<vmem>>, vector<1x16xf32>,
      %get3A_291 = vector.shape_cast %get3A_290 : vector<1x16xf32> to vector<16xf32>
      %get3A_292 = arith.constant 0 : i32
      %get3A_293 = arith.index_cast %get3A_292 : i32 to index
      %get3A_294 = arith.constant 144 : index
      %get3A_295 = tpu.vector_load %arg7[%get3A_293, %get3A_294] {strides = array<i32>} : memref<56x384xf32, #tpu.memory_space<vmem>>, vector<1x16xf32>,
      %get3A_296 = vector.shape_cast %get3A_295 : vector<1x16xf32> to vector<16xf32>
      %get3A_297 = arith.constant 0 : i32
      %get3A_298 = arith.index_cast %get3A_297 : i32 to index
      %get3A_299 = arith.constant 160 : index
      %get3A_300 = tpu.vector_load %arg7[%get3A_298, %get3A_299] {strides = array<i32>} : memref<56x384xf32, #tpu.memory_space<vmem>>, vector<1x16xf32>,
      %get3A_301 = vector.shape_cast %get3A_300 : vector<1x16xf32> to vector<16xf32>
      %get3A_302 = arith.constant 0 : i32
      %get3A_303 = arith.index_cast %get3A_302 : i32 to index
      %get3A_304 = arith.constant 176 : index
      %get3A_305 = tpu.vector_load %arg7[%get3A_303, %get3A_304] {strides = array<i32>} : memref<56x384xf32, #tpu.memory_space<vmem>>, vector<1x16xf32>,
      %get3A_306 = vector.shape_cast %get3A_305 : vector<1x16xf32> to vector<16xf32>
      %get3A_307 = arith.constant 0 : i32
      %get3A_308 = arith.index_cast %get3A_307 : i32 to index
      %get3A_309 = arith.constant 192 : index
      %get3A_310 = tpu.vector_load %arg7[%get3A_308, %get3A_309] {strides = array<i32>} : memref<56x384xf32, #tpu.memory_space<vmem>>, vector<1x16xf32>,
      %get3A_311 = vector.shape_cast %get3A_310 : vector<1x16xf32> to vector<16xf32>
      %get3A_312 = arith.constant 0 : i32
      %get3A_313 = arith.index_cast %get3A_312 : i32 to index
      %get3A_314 = arith.constant 208 : index
      %get3A_315 = tpu.vector_load %arg7[%get3A_313, %get3A_314] {strides = array<i32>} : memref<56x384xf32, #tpu.memory_space<vmem>>, vector<1x16xf32>,
      %get3A_316 = vector.shape_cast %get3A_315 : vector<1x16xf32> to vector<16xf32>
      %get3A_317 = arith.constant 0 : i32
      %get3A_318 = arith.index_cast %get3A_317 : i32 to index
      %get3A_319 = arith.constant 224 : index
      %get3A_320 = tpu.vector_load %arg7[%get3A_318, %get3A_319] {strides = array<i32>} : memref<56x384xf32, #tpu.memory_space<vmem>>, vector<1x16xf32>,
      %get3A_321 = vector.shape_cast %get3A_320 : vector<1x16xf32> to vector<16xf32>
      %get3A_322 = arith.constant 0 : i32
      %get3A_323 = arith.index_cast %get3A_322 : i32 to index
      %get3A_324 = arith.constant 240 : index
      %get3A_325 = tpu.vector_load %arg7[%get3A_323, %get3A_324] {strides = array<i32>} : memref<56x384xf32, #tpu.memory_space<vmem>>, vector<1x16xf32>,
      %get3A_326 = vector.shape_cast %get3A_325 : vector<1x16xf32> to vector<16xf32>
      %get3A_327 = arith.constant 0 : i32
      %get3A_328 = arith.index_cast %get3A_327 : i32 to index
      %get3A_329 = arith.constant 256 : index
      %get3A_330 = tpu.vector_load %arg7[%get3A_328, %get3A_329] {strides = array<i32>} : memref<56x384xf32, #tpu.memory_space<vmem>>, vector<1x16xf32>,
      %get3A_331 = vector.shape_cast %get3A_330 : vector<1x16xf32> to vector<16xf32>
      %get3A_332 = arith.constant 0 : i32
      %get3A_333 = arith.index_cast %get3A_332 : i32 to index
      %get3A_334 = arith.constant 272 : index
      %get3A_335 = tpu.vector_load %arg7[%get3A_333, %get3A_334] {strides = array<i32>} : memref<56x384xf32, #tpu.memory_space<vmem>>, vector<1x16xf32>,
      %get3A_336 = vector.shape_cast %get3A_335 : vector<1x16xf32> to vector<16xf32>
      %get3A_337 = arith.constant 0 : i32
      %get3A_338 = arith.index_cast %get3A_337 : i32 to index
      %get3A_339 = arith.constant 288 : index
      %get3A_340 = tpu.vector_load %arg7[%get3A_338, %get3A_339] {strides = array<i32>} : memref<56x384xf32, #tpu.memory_space<vmem>>, vector<1x16xf32>,
      %get3A_341 = vector.shape_cast %get3A_340 : vector<1x16xf32> to vector<16xf32>
      %scan3A_342 = arith.constant 1 : i32
      %scan3A_343 = arith.constant 55 : i32
      %scan3A_344 = arith.addi %scan3A_342, %scan3A_343 : i32
      %scan3A_345 = arith.constant 1 : i32
      %scan3A_346:19 = scf.for %scan3A_457 = %scan3A_342 to %scan3A_344 step %scan3A_345 iter_args(%scan3A_458 = %get3A_251, %scan3A_459 = %get3A_256, %scan3A_460 = %get3A_261, %scan3A_461 = %get3A_266, %scan3A_462 = %get3A_271, %scan3A_463 = %get3A_276, %scan3A_464 = %get3A_281, %scan3A_465 = %get3A_286, %scan3A_466 = %get3A_291, %scan3A_467 = %get3A_296, %scan3A_468 = %get3A_301, %scan3A_469 = %get3A_306, %scan3A_470 = %get3A_311, %scan3A_471 = %get3A_316, %scan3A_472 = %get3A_321, %scan3A_473 = %get3A_326, %scan3A_474 = %get3A_331, %scan3A_475 = %get3A_336, %scan3A_476 = %get3A_341) -> (vector<16xf32>, vector<16xf32>, vector<16xf32>, vector<16xf32>, vector<16xf32>, vector<16xf32>, vector<16xf32>, vector<16xf32>, vector<16xf32>, vector<16xf32>, vector<16xf32>, vector<16xf32>, vector<16xf32>, vector<16xf32>, vector<16xf32>, vector<16xf32>, vector<16xf32>, vector<16xf32>, vector<16xf32>)  : i32 {
        %get3A_477 = arith.index_cast %scan3A_457 : i32 to index
        %get3A_478 = arith.constant 0 : index
        %get3A_479 = tpu.vector_load %arg7[%get3A_477, %get3A_478] {strides = array<i32>} : memref<56x384xf32, #tpu.memory_space<vmem>>, vector<1x16xf32>,
        %get3A_480 = vector.shape_cast %get3A_479 : vector<1x16xf32> to vector<16xf32>
        %max3A = arith.maximumf %scan3A_458, %get3A_480 : vector<16xf32>
        %get3A_481 = arith.index_cast %scan3A_457 : i32 to index
        %get3A_482 = arith.constant 16 : index
        %get3A_483 = tpu.vector_load %arg7[%get3A_481, %get3A_482] {strides = array<i32>} : memref<56x384xf32, #tpu.memory_space<vmem>>, vector<1x16xf32>,
        %get3A_484 = vector.shape_cast %get3A_483 : vector<1x16xf32> to vector<16xf32>
        %max3A_485 = arith.maximumf %scan3A_459, %get3A_484 : vector<16xf32>
        %get3A_486 = arith.index_cast %scan3A_457 : i32 to index
        %get3A_487 = arith.constant 32 : index
        %get3A_488 = tpu.vector_load %arg7[%get3A_486, %get3A_487] {strides = array<i32>} : memref<56x384xf32, #tpu.memory_space<vmem>>, vector<1x16xf32>,
        %get3A_489 = vector.shape_cast %get3A_488 : vector<1x16xf32> to vector<16xf32>
        %max3A_490 = arith.maximumf %scan3A_460, %get3A_489 : vector<16xf32>
        %get3A_491 = arith.index_cast %scan3A_457 : i32 to index
        %get3A_492 = arith.constant 48 : index
        %get3A_493 = tpu.vector_load %arg7[%get3A_491, %get3A_492] {strides = array<i32>} : memref<56x384xf32, #tpu.memory_space<vmem>>, vector<1x16xf32>,
        %get3A_494 = vector.shape_cast %get3A_493 : vector<1x16xf32> to vector<16xf32>
        %max3A_495 = arith.maximumf %scan3A_461, %get3A_494 : vector<16xf32>
        %get3A_496 = arith.index_cast %scan3A_457 : i32 to index
        %get3A_497 = arith.constant 64 : index
        %get3A_498 = tpu.vector_load %arg7[%get3A_496, %get3A_497] {strides = array<i32>} : memref<56x384xf32, #tpu.memory_space<vmem>>, vector<1x16xf32>,
        %get3A_499 = vector.shape_cast %get3A_498 : vector<1x16xf32> to vector<16xf32>
        %max3A_500 = arith.maximumf %scan3A_462, %get3A_499 : vector<16xf32>
        %get3A_501 = arith.index_cast %scan3A_457 : i32 to index
        %get3A_502 = arith.constant 80 : index
        %get3A_503 = tpu.vector_load %arg7[%get3A_501, %get3A_502] {strides = array<i32>} : memref<56x384xf32, #tpu.memory_space<vmem>>, vector<1x16xf32>,
        %get3A_504 = vector.shape_cast %get3A_503 : vector<1x16xf32> to vector<16xf32>
        %max3A_505 = arith.maximumf %scan3A_463, %get3A_504 : vector<16xf32>
        %get3A_506 = arith.index_cast %scan3A_457 : i32 to index
        %get3A_507 = arith.constant 96 : index
        %get3A_508 = tpu.vector_load %arg7[%get3A_506, %get3A_507] {strides = array<i32>} : memref<56x384xf32, #tpu.memory_space<vmem>>, vector<1x16xf32>,
        %get3A_509 = vector.shape_cast %get3A_508 : vector<1x16xf32> to vector<16xf32>
        %max3A_510 = arith.maximumf %scan3A_464, %get3A_509 : vector<16xf32>
        %get3A_511 = arith.index_cast %scan3A_457 : i32 to index
        %get3A_512 = arith.constant 112 : index
        %get3A_513 = tpu.vector_load %arg7[%get3A_511, %get3A_512] {strides = array<i32>} : memref<56x384xf32, #tpu.memory_space<vmem>>, vector<1x16xf32>,
        %get3A_514 = vector.shape_cast %get3A_513 : vector<1x16xf32> to vector<16xf32>
        %max3A_515 = arith.maximumf %scan3A_465, %get3A_514 : vector<16xf32>
        %get3A_516 = arith.index_cast %scan3A_457 : i32 to index
        %get3A_517 = arith.constant 128 : index
        %get3A_518 = tpu.vector_load %arg7[%get3A_516, %get3A_517] {strides = array<i32>} : memref<56x384xf32, #tpu.memory_space<vmem>>, vector<1x16xf32>,
        %get3A_519 = vector.shape_cast %get3A_518 : vector<1x16xf32> to vector<16xf32>
        %max3A_520 = arith.maximumf %scan3A_466, %get3A_519 : vector<16xf32>
        %get3A_521 = arith.index_cast %scan3A_457 : i32 to index
        %get3A_522 = arith.constant 144 : index
        %get3A_523 = tpu.vector_load %arg7[%get3A_521, %get3A_522] {strides = array<i32>} : memref<56x384xf32, #tpu.memory_space<vmem>>, vector<1x16xf32>,
        %get3A_524 = vector.shape_cast %get3A_523 : vector<1x16xf32> to vector<16xf32>
        %max3A_525 = arith.maximumf %scan3A_467, %get3A_524 : vector<16xf32>
        %get3A_526 = arith.index_cast %scan3A_457 : i32 to index
        %get3A_527 = arith.constant 160 : index
        %get3A_528 = tpu.vector_load %arg7[%get3A_526, %get3A_527] {strides = array<i32>} : memref<56x384xf32, #tpu.memory_space<vmem>>, vector<1x16xf32>,
        %get3A_529 = vector.shape_cast %get3A_528 : vector<1x16xf32> to vector<16xf32>
        %max3A_530 = arith.maximumf %scan3A_468, %get3A_529 : vector<16xf32>
        %get3A_531 = arith.index_cast %scan3A_457 : i32 to index
        %get3A_532 = arith.constant 176 : index
        %get3A_533 = tpu.vector_load %arg7[%get3A_531, %get3A_532] {strides = array<i32>} : memref<56x384xf32, #tpu.memory_space<vmem>>, vector<1x16xf32>,
        %get3A_534 = vector.shape_cast %get3A_533 : vector<1x16xf32> to vector<16xf32>
        %max3A_535 = arith.maximumf %scan3A_469, %get3A_534 : vector<16xf32>
        %get3A_536 = arith.index_cast %scan3A_457 : i32 to index
        %get3A_537 = arith.constant 192 : index
        %get3A_538 = tpu.vector_load %arg7[%get3A_536, %get3A_537] {strides = array<i32>} : memref<56x384xf32, #tpu.memory_space<vmem>>, vector<1x16xf32>,
        %get3A_539 = vector.shape_cast %get3A_538 : vector<1x16xf32> to vector<16xf32>
        %max3A_540 = arith.maximumf %scan3A_470, %get3A_539 : vector<16xf32>
        %get3A_541 = arith.index_cast %scan3A_457 : i32 to index
        %get3A_542 = arith.constant 208 : index
        %get3A_543 = tpu.vector_load %arg7[%get3A_541, %get3A_542] {strides = array<i32>} : memref<56x384xf32, #tpu.memory_space<vmem>>, vector<1x16xf32>,
        %get3A_544 = vector.shape_cast %get3A_543 : vector<1x16xf32> to vector<16xf32>
        %max3A_545 = arith.maximumf %scan3A_471, %get3A_544 : vector<16xf32>
        %get3A_546 = arith.index_cast %scan3A_457 : i32 to index
        %get3A_547 = arith.constant 224 : index
        %get3A_548 = tpu.vector_load %arg7[%get3A_546, %get3A_547] {strides = array<i32>} : memref<56x384xf32, #tpu.memory_space<vmem>>, vector<1x16xf32>,
        %get3A_549 = vector.shape_cast %get3A_548 : vector<1x16xf32> to vector<16xf32>
        %max3A_550 = arith.maximumf %scan3A_472, %get3A_549 : vector<16xf32>
        %get3A_551 = arith.index_cast %scan3A_457 : i32 to index
        %get3A_552 = arith.constant 240 : index
        %get3A_553 = tpu.vector_load %arg7[%get3A_551, %get3A_552] {strides = array<i32>} : memref<56x384xf32, #tpu.memory_space<vmem>>, vector<1x16xf32>,
        %get3A_554 = vector.shape_cast %get3A_553 : vector<1x16xf32> to vector<16xf32>
        %max3A_555 = arith.maximumf %scan3A_473, %get3A_554 : vector<16xf32>
        %get3A_556 = arith.index_cast %scan3A_457 : i32 to index
        %get3A_557 = arith.constant 256 : index
        %get3A_558 = tpu.vector_load %arg7[%get3A_556, %get3A_557] {strides = array<i32>} : memref<56x384xf32, #tpu.memory_space<vmem>>, vector<1x16xf32>,
        %get3A_559 = vector.shape_cast %get3A_558 : vector<1x16xf32> to vector<16xf32>
        %max3A_560 = arith.maximumf %scan3A_474, %get3A_559 : vector<16xf32>
        %get3A_561 = arith.index_cast %scan3A_457 : i32 to index
        %get3A_562 = arith.constant 272 : index
        %get3A_563 = tpu.vector_load %arg7[%get3A_561, %get3A_562] {strides = array<i32>} : memref<56x384xf32, #tpu.memory_space<vmem>>, vector<1x16xf32>,
        %get3A_564 = vector.shape_cast %get3A_563 : vector<1x16xf32> to vector<16xf32>
        %max3A_565 = arith.maximumf %scan3A_475, %get3A_564 : vector<16xf32>
        %get3A_566 = arith.index_cast %scan3A_457 : i32 to index
        %get3A_567 = arith.constant 288 : index
        %get3A_568 = tpu.vector_load %arg7[%get3A_566, %get3A_567] {strides = array<i32>} : memref<56x384xf32, #tpu.memory_space<vmem>>, vector<1x16xf32>,
        %get3A_569 = vector.shape_cast %get3A_568 : vector<1x16xf32> to vector<16xf32>
        %max3A_570 = arith.maximumf %scan3A_476, %get3A_569 : vector<16xf32>
        scf.yield %max3A, %max3A_485, %max3A_490, %max3A_495, %max3A_500, %max3A_505, %max3A_510, %max3A_515, %max3A_520, %max3A_525, %max3A_530, %max3A_535, %max3A_540, %max3A_545, %max3A_550, %max3A_555, %max3A_560, %max3A_565, %max3A_570 : vector<16xf32>, vector<16xf32>, vector<16xf32>, vector<16xf32>, vector<16xf32>, vector<16xf32>, vector<16xf32>, vector<16xf32>, vector<16xf32>, vector<16xf32>, vector<16xf32>, vector<16xf32>, vector<16xf32>, vector<16xf32>, vector<16xf32>, vector<16xf32>, vector<16xf32>, vector<16xf32>, vector<16xf32>
      }
      %scan3A_347 = arith.constant 55 : i32
      %rem3A_348 = arith.constant 128 : i32
      %rem3A_349 = arith.remsi %add3A_240, %rem3A_348 : i32
      %swap3A_350 = arith.index_cast %rem3A_349 : i32 to index
      %swap3A_351 = arith.constant 0 : index
      %swap3A_352 = tpu.vector_load %arg8[%swap3A_350, %swap3A_351] {strides = array<i32>} : memref<128x384xf32, #tpu.memory_space<vmem>>, vector<1x16xf32>,
      %swap3A_353 = vector.shape_cast %swap3A_352 : vector<1x16xf32> to vector<16xf32>
      %swap3A_354 = vector.shape_cast %scan3A_346#0 : vector<16xf32> to vector<1x16xf32>
      tpu.vector_store %arg8[%swap3A_350, %swap3A_351], %swap3A_354 {strides = array<i32>} : memref<128x384xf32, #tpu.memory_space<vmem>>, vector<1x16xf32>,
      %swap3A_355 = arith.index_cast %rem3A_349 : i32 to index
      %swap3A_356 = arith.constant 16 : index
      %swap3A_357 = tpu.vector_load %arg8[%swap3A_355, %swap3A_356] {strides = array<i32>} : memref<128x384xf32, #tpu.memory_space<vmem>>, vector<1x16xf32>,
      %swap3A_358 = vector.shape_cast %swap3A_357 : vector<1x16xf32> to vector<16xf32>
      %swap3A_359 = vector.shape_cast %scan3A_346#1 : vector<16xf32> to vector<1x16xf32>
      tpu.vector_store %arg8[%swap3A_355, %swap3A_356], %swap3A_359 {strides = array<i32>} : memref<128x384xf32, #tpu.memory_space<vmem>>, vector<1x16xf32>,
      %swap3A_360 = arith.index_cast %rem3A_349 : i32 to index
      %swap3A_361 = arith.constant 32 : index
      %swap3A_362 = tpu.vector_load %arg8[%swap3A_360, %swap3A_361] {strides = array<i32>} : memref<128x384xf32, #tpu.memory_space<vmem>>, vector<1x16xf32>,
      %swap3A_363 = vector.shape_cast %swap3A_362 : vector<1x16xf32> to vector<16xf32>
      %swap3A_364 = vector.shape_cast %scan3A_346#2 : vector<16xf32> to vector<1x16xf32>
      tpu.vector_store %arg8[%swap3A_360, %swap3A_361], %swap3A_364 {strides = array<i32>} : memref<128x384xf32, #tpu.memory_space<vmem>>, vector<1x16xf32>,
      %swap3A_365 = arith.index_cast %rem3A_349 : i32 to index
      %swap3A_366 = arith.constant 48 : index
      %swap3A_367 = tpu.vector_load %arg8[%swap3A_365, %swap3A_366] {strides = array<i32>} : memref<128x384xf32, #tpu.memory_space<vmem>>, vector<1x16xf32>,
      %swap3A_368 = vector.shape_cast %swap3A_367 : vector<1x16xf32> to vector<16xf32>
      %swap3A_369 = vector.shape_cast %scan3A_346#3 : vector<16xf32> to vector<1x16xf32>
      tpu.vector_store %arg8[%swap3A_365, %swap3A_366], %swap3A_369 {strides = array<i32>} : memref<128x384xf32, #tpu.memory_space<vmem>>, vector<1x16xf32>,
      %swap3A_370 = arith.index_cast %rem3A_349 : i32 to index
      %swap3A_371 = arith.constant 64 : index
      %swap3A_372 = tpu.vector_load %arg8[%swap3A_370, %swap3A_371] {strides = array<i32>} : memref<128x384xf32, #tpu.memory_space<vmem>>, vector<1x16xf32>,
      %swap3A_373 = vector.shape_cast %swap3A_372 : vector<1x16xf32> to vector<16xf32>
      %swap3A_374 = vector.shape_cast %scan3A_346#4 : vector<16xf32> to vector<1x16xf32>
      tpu.vector_store %arg8[%swap3A_370, %swap3A_371], %swap3A_374 {strides = array<i32>} : memref<128x384xf32, #tpu.memory_space<vmem>>, vector<1x16xf32>,
      %swap3A_375 = arith.index_cast %rem3A_349 : i32 to index
      %swap3A_376 = arith.constant 80 : index
      %swap3A_377 = tpu.vector_load %arg8[%swap3A_375, %swap3A_376] {strides = array<i32>} : memref<128x384xf32, #tpu.memory_space<vmem>>, vector<1x16xf32>,
      %swap3A_378 = vector.shape_cast %swap3A_377 : vector<1x16xf32> to vector<16xf32>
      %swap3A_379 = vector.shape_cast %scan3A_346#5 : vector<16xf32> to vector<1x16xf32>
      tpu.vector_store %arg8[%swap3A_375, %swap3A_376], %swap3A_379 {strides = array<i32>} : memref<128x384xf32, #tpu.memory_space<vmem>>, vector<1x16xf32>,
      %swap3A_380 = arith.index_cast %rem3A_349 : i32 to index
      %swap3A_381 = arith.constant 96 : index
      %swap3A_382 = tpu.vector_load %arg8[%swap3A_380, %swap3A_381] {strides = array<i32>} : memref<128x384xf32, #tpu.memory_space<vmem>>, vector<1x16xf32>,
      %swap3A_383 = vector.shape_cast %swap3A_382 : vector<1x16xf32> to vector<16xf32>
      %swap3A_384 = vector.shape_cast %scan3A_346#6 : vector<16xf32> to vector<1x16xf32>
      tpu.vector_store %arg8[%swap3A_380, %swap3A_381], %swap3A_384 {strides = array<i32>} : memref<128x384xf32, #tpu.memory_space<vmem>>, vector<1x16xf32>,
      %swap3A_385 = arith.index_cast %rem3A_349 : i32 to index
      %swap3A_386 = arith.constant 112 : index
      %swap3A_387 = tpu.vector_load %arg8[%swap3A_385, %swap3A_386] {strides = array<i32>} : memref<128x384xf32, #tpu.memory_space<vmem>>, vector<1x16xf32>,
      %swap3A_388 = vector.shape_cast %swap3A_387 : vector<1x16xf32> to vector<16xf32>
      %swap3A_389 = vector.shape_cast %scan3A_346#7 : vector<16xf32> to vector<1x16xf32>
      tpu.vector_store %arg8[%swap3A_385, %swap3A_386], %swap3A_389 {strides = array<i32>} : memref<128x384xf32, #tpu.memory_space<vmem>>, vector<1x16xf32>,
      %swap3A_390 = arith.index_cast %rem3A_349 : i32 to index
      %swap3A_391 = arith.constant 128 : index
      %swap3A_392 = tpu.vector_load %arg8[%swap3A_390, %swap3A_391] {strides = array<i32>} : memref<128x384xf32, #tpu.memory_space<vmem>>, vector<1x16xf32>,
      %swap3A_393 = vector.shape_cast %swap3A_392 : vector<1x16xf32> to vector<16xf32>
      %swap3A_394 = vector.shape_cast %scan3A_346#8 : vector<16xf32> to vector<1x16xf32>
      tpu.vector_store %arg8[%swap3A_390, %swap3A_391], %swap3A_394 {strides = array<i32>} : memref<128x384xf32, #tpu.memory_space<vmem>>, vector<1x16xf32>,
      %swap3A_395 = arith.index_cast %rem3A_349 : i32 to index
      %swap3A_396 = arith.constant 144 : index
      %swap3A_397 = tpu.vector_load %arg8[%swap3A_395, %swap3A_396] {strides = array<i32>} : memref<128x384xf32, #tpu.memory_space<vmem>>, vector<1x16xf32>,
      %swap3A_398 = vector.shape_cast %swap3A_397 : vector<1x16xf32> to vector<16xf32>
      %swap3A_399 = vector.shape_cast %scan3A_346#9 : vector<16xf32> to vector<1x16xf32>
      tpu.vector_store %arg8[%swap3A_395, %swap3A_396], %swap3A_399 {strides = array<i32>} : memref<128x384xf32, #tpu.memory_space<vmem>>, vector<1x16xf32>,
      %swap3A_400 = arith.index_cast %rem3A_349 : i32 to index
      %swap3A_401 = arith.constant 160 : index
      %swap3A_402 = tpu.vector_load %arg8[%swap3A_400, %swap3A_401] {strides = array<i32>} : memref<128x384xf32, #tpu.memory_space<vmem>>, vector<1x16xf32>,
      %swap3A_403 = vector.shape_cast %swap3A_402 : vector<1x16xf32> to vector<16xf32>
      %swap3A_404 = vector.shape_cast %scan3A_346#10 : vector<16xf32> to vector<1x16xf32>
      tpu.vector_store %arg8[%swap3A_400, %swap3A_401], %swap3A_404 {strides = array<i32>} : memref<128x384xf32, #tpu.memory_space<vmem>>, vector<1x16xf32>,
      %swap3A_405 = arith.index_cast %rem3A_349 : i32 to index
      %swap3A_406 = arith.constant 176 : index
      %swap3A_407 = tpu.vector_load %arg8[%swap3A_405, %swap3A_406] {strides = array<i32>} : memref<128x384xf32, #tpu.memory_space<vmem>>, vector<1x16xf32>,
      %swap3A_408 = vector.shape_cast %swap3A_407 : vector<1x16xf32> to vector<16xf32>
      %swap3A_409 = vector.shape_cast %scan3A_346#11 : vector<16xf32> to vector<1x16xf32>
      tpu.vector_store %arg8[%swap3A_405, %swap3A_406], %swap3A_409 {strides = array<i32>} : memref<128x384xf32, #tpu.memory_space<vmem>>, vector<1x16xf32>,
      %swap3A_410 = arith.index_cast %rem3A_349 : i32 to index
      %swap3A_411 = arith.constant 192 : index
      %swap3A_412 = tpu.vector_load %arg8[%swap3A_410, %swap3A_411] {strides = array<i32>} : memref<128x384xf32, #tpu.memory_space<vmem>>, vector<1x16xf32>,
      %swap3A_413 = vector.shape_cast %swap3A_412 : vector<1x16xf32> to vector<16xf32>
      %swap3A_414 = vector.shape_cast %scan3A_346#12 : vector<16xf32> to vector<1x16xf32>
      tpu.vector_store %arg8[%swap3A_410, %swap3A_411], %swap3A_414 {strides = array<i32>} : memref<128x384xf32, #tpu.memory_space<vmem>>, vector<1x16xf32>,
      %swap3A_415 = arith.index_cast %rem3A_349 : i32 to index
      %swap3A_416 = arith.constant 208 : index
      %swap3A_417 = tpu.vector_load %arg8[%swap3A_415, %swap3A_416] {strides = array<i32>} : memref<128x384xf32, #tpu.memory_space<vmem>>, vector<1x16xf32>,
      %swap3A_418 = vector.shape_cast %swap3A_417 : vector<1x16xf32> to vector<16xf32>
      %swap3A_419 = vector.shape_cast %scan3A_346#13 : vector<16xf32> to vector<1x16xf32>
      tpu.vector_store %arg8[%swap3A_415, %swap3A_416], %swap3A_419 {strides = array<i32>} : memref<128x384xf32, #tpu.memory_space<vmem>>, vector<1x16xf32>,
      %swap3A_420 = arith.index_cast %rem3A_349 : i32 to index
      %swap3A_421 = arith.constant 224 : index
      %swap3A_422 = tpu.vector_load %arg8[%swap3A_420, %swap3A_421] {strides = array<i32>} : memref<128x384xf32, #tpu.memory_space<vmem>>, vector<1x16xf32>,
      %swap3A_423 = vector.shape_cast %swap3A_422 : vector<1x16xf32> to vector<16xf32>
      %swap3A_424 = vector.shape_cast %scan3A_346#14 : vector<16xf32> to vector<1x16xf32>
      tpu.vector_store %arg8[%swap3A_420, %swap3A_421], %swap3A_424 {strides = array<i32>} : memref<128x384xf32, #tpu.memory_space<vmem>>, vector<1x16xf32>,
      %swap3A_425 = arith.index_cast %rem3A_349 : i32 to index
      %swap3A_426 = arith.constant 240 : index
      %swap3A_427 = tpu.vector_load %arg8[%swap3A_425, %swap3A_426] {strides = array<i32>} : memref<128x384xf32, #tpu.memory_space<vmem>>, vector<1x16xf32>,
      %swap3A_428 = vector.shape_cast %swap3A_427 : vector<1x16xf32> to vector<16xf32>
      %swap3A_429 = vector.shape_cast %scan3A_346#15 : vector<16xf32> to vector<1x16xf32>
      tpu.vector_store %arg8[%swap3A_425, %swap3A_426], %swap3A_429 {strides = array<i32>} : memref<128x384xf32, #tpu.memory_space<vmem>>, vector<1x16xf32>,
      %swap3A_430 = arith.index_cast %rem3A_349 : i32 to index
      %swap3A_431 = arith.constant 256 : index
      %swap3A_432 = tpu.vector_load %arg8[%swap3A_430, %swap3A_431] {strides = array<i32>} : memref<128x384xf32, #tpu.memory_space<vmem>>, vector<1x16xf32>,
      %swap3A_433 = vector.shape_cast %swap3A_432 : vector<1x16xf32> to vector<16xf32>
      %swap3A_434 = vector.shape_cast %scan3A_346#16 : vector<16xf32> to vector<1x16xf32>
      tpu.vector_store %arg8[%swap3A_430, %swap3A_431], %swap3A_434 {strides = array<i32>} : memref<128x384xf32, #tpu.memory_space<vmem>>, vector<1x16xf32>,
      %swap3A_435 = arith.index_cast %rem3A_349 : i32 to index
      %swap3A_436 = arith.constant 272 : index
      %swap3A_437 = tpu.vector_load %arg8[%swap3A_435, %swap3A_436] {strides = array<i32>} : memref<128x384xf32, #tpu.memory_space<vmem>>, vector<1x16xf32>,
      %swap3A_438 = vector.shape_cast %swap3A_437 : vector<1x16xf32> to vector<16xf32>
      %swap3A_439 = vector.shape_cast %scan3A_346#17 : vector<16xf32> to vector<1x16xf32>
      tpu.vector_store %arg8[%swap3A_435, %swap3A_436], %swap3A_439 {strides = array<i32>} : memref<128x384xf32, #tpu.memory_space<vmem>>, vector<1x16xf32>,
      %swap3A_440 = arith.index_cast %rem3A_349 : i32 to index
      %swap3A_441 = arith.constant 288 : index
      %swap3A_442 = tpu.vector_load %arg8[%swap3A_440, %swap3A_441] {strides = array<i32>} : memref<128x384xf32, #tpu.memory_space<vmem>>, vector<1x16xf32>,
      %swap3A_443 = vector.shape_cast %swap3A_442 : vector<1x16xf32> to vector<16xf32>
      %swap3A_444 = vector.shape_cast %scan3A_346#18 : vector<16xf32> to vector<1x16xf32>
      tpu.vector_store %arg8[%swap3A_440, %swap3A_441], %swap3A_444 {strides = array<i32>} : memref<128x384xf32, #tpu.memory_space<vmem>>, vector<1x16xf32>,
      %add3A_445 = arith.constant 2 : i32
      %add3A_446 = arith.addi %add3A_240, %add3A_445 : i32
      %lt3A_447 = arith.constant 256 : i32
      %lt3A_448 = arith.cmpi slt, %add3A_446, %lt3A_447 : i32
      %convert_element_type3A_449 = arith.extui %lt3A_448 : i1 to i32
      %cond3A_450 = arith.constant 0 : i32
      %cond3A_451 = arith.cmpi ne, %convert_element_type3A_449, %cond3A_450 : i32
      scf.if %cond3A_451 {
        %add3A_457 = arith.constant 2 : i32
        %add3A_458 = arith.addi %add3A_240, %add3A_457 : i32
        %dma_start3A_459 = arith.constant 0 : i32
        %dma_start3A_460 = tpu.memref_slice %arg5[%add3A_458, %dma_start3A_459] : memref<256x56xi32, #tpu.memory_space<vmem>> -> memref<1x56xi32, #tpu.memory_space<vmem>>
        %dma_start3A_461 = tpu.memref_squeeze %dma_start3A_460 : memref<1x56xi32, #tpu.memory_space<vmem>> -> memref<56xi32, #tpu.memory_space<vmem>>
        %dma_start3A_462 = arith.constant 0 : i32
        %dma_start3A_463 = arith.constant 0 : i32
        %dma_start3A_464 = tpu.memref_slice %arg3[%dma_start3A_462, %dma_start3A_463] : memref<100000x384xf32, #tpu.memory_space<hbm>> -> memref<100000x384xf32, #tpu.memory_space<hbm>>
        tpu.enqueue_indirect_dma source(%dma_start3A_464 : memref<100000x384xf32, #tpu.memory_space<hbm>>) target(%arg7 : memref<56x384xf32, #tpu.memory_space<vmem>>) offsets(%dma_start3A_461 : memref<56xi32, #tpu.memory_space<vmem>>) semaphore(%arg10 : memref<!tpu.dma_semaphore, #tpu.memory_space<semaphore_mem>>)
      } else {
      }
      %eq3A_452 = arith.constant 127 : i32
      %eq3A_453 = arith.cmpi eq, %rem3A_349, %eq3A_452 : i32
      %convert_element_type3A_454 = arith.extui %eq3A_453 : i1 to i32
      %cond3A_455 = arith.constant 0 : i32
      %cond3A_456 = arith.cmpi ne, %convert_element_type3A_454, %cond3A_455 : i32
      scf.if %cond3A_456 {
        %jit3A = arith.constant 128 : i32
        %div3A = arith.divsi %add3A_240, %jit3A : i32
        %sign3A = arith.constant 0 : i32
        %sign3A_457 = arith.cmpi sgt, %add3A_240, %sign3A : i32
        %sign3A_458 = arith.extui %sign3A_457 : i1 to i32
        %sign3A_459 = arith.constant 0 : i32
        %sign3A_460 = arith.cmpi slt, %add3A_240, %sign3A_459 : i32
        %sign3A_461 = arith.extui %sign3A_460 : i1 to i32
        %sign3A_462 = arith.subi %sign3A_458, %sign3A_461 : i32
        %sign3A_463 = arith.constant 0 : i32
        %sign3A_464 = arith.cmpi sgt, %jit3A, %sign3A_463 : i32
        %sign3A_465 = arith.extui %sign3A_464 : i1 to i32
        %sign3A_466 = arith.constant 0 : i32
        %sign3A_467 = arith.cmpi slt, %jit3A, %sign3A_466 : i32
        %sign3A_468 = arith.extui %sign3A_467 : i1 to i32
        %sign3A_469 = arith.subi %sign3A_465, %sign3A_468 : i32
        %ne3A = arith.cmpi ne, %sign3A_462, %sign3A_469 : i32
        %rem3A_470 = arith.remsi %add3A_240, %jit3A : i32
        %ne3A_471 = arith.constant 0 : i32
        %ne3A_472 = arith.cmpi ne, %rem3A_470, %ne3A_471 : i32
        %and3A = arith.andi %ne3A, %ne3A_472 : i1
        %sub3A = arith.constant 1 : i32
        %sub3A_473 = arith.subi %div3A, %sub3A : i32
        %select_n3A = arith.select %and3A, %sub3A_473, %div3A : i32
        %mul3A_474 = arith.constant 128 : i32
        %mul3A_475 = arith.muli %select_n3A, %mul3A_474 : i32
        %add3A_476 = arith.addi %mul3A_2, %mul3A_475 : i32
        "tpu.region"() ({
          %run_scoped3A = tpu.sem_alloc : memref<!tpu.dma_semaphore, #tpu.memory_space<semaphore_mem>>
          %dma_start3A_477 = arith.constant 0 : i32
          %dma_start3A_478 = tpu.memref_slice %arg4[%add3A_476, %dma_start3A_477] : memref<8192x384xf32, #tpu.memory_space<hbm>> -> memref<128x384xf32, #tpu.memory_space<hbm>>
          %dma_start3A_479 = arith.constant 0 : i32
          %dma_start3A_480 = tpu.memref_slice %arg4[%add3A_476, %dma_start3A_479] : memref<8192x384xf32, #tpu.memory_space<hbm>> -> memref<128x384xf32, #tpu.memory_space<hbm>>
          tpu.enqueue_dma source(%arg8 : memref<128x384xf32, #tpu.memory_space<vmem>>) target(%dma_start3A_480 : memref<128x384xf32, #tpu.memory_space<hbm>>) target_semaphore(%run_scoped3A : memref<!tpu.dma_semaphore, #tpu.memory_space<semaphore_mem>>)
          %dma_wait3A_481 = arith.constant 0 : i32
          %dma_wait3A_482 = tpu.memref_slice %arg4[%add3A_476, %dma_wait3A_481] : memref<8192x384xf32, #tpu.memory_space<hbm>> -> memref<128x384xf32, #tpu.memory_space<hbm>>
          %dma_wait3A_483 = arith.constant 0 : i32
          %dma_wait3A_484 = tpu.memref_slice %arg4[%add3A_476, %dma_wait3A_483] : memref<8192x384xf32, #tpu.memory_space<hbm>> -> memref<128x384xf32, #tpu.memory_space<hbm>>
          tpu.wait_dma2 semaphore(%run_scoped3A : memref<!tpu.dma_semaphore, #tpu.memory_space<semaphore_mem>>) src(%arg8 : memref<128x384xf32, #tpu.memory_space<vmem>>) dst(%dma_wait3A_484 : memref<128x384xf32, #tpu.memory_space<hbm>>)
          tpu.yield
        }) : () -> ()
      } else {
      }
    }
    %scan3A_19 = arith.constant 128 : i32
    return
  }
}

module attributes {stable_mosaic.version = 14 : i64} {
  func.func @_pad_body(%arg0: i32, %arg1: memref<300x1024xf32, #tpu.memory_space<vmem>>, %arg2: memref<1024x384xf32, #tpu.memory_space<vmem>>) attributes {dimension_semantics = [#tpu.dimension_semantics<arbitrary>], iteration_bounds = array<i64: 98>, scalar_prefetch = 0 : i64, scratch_operands = 0 : i64, tpu.core_type = #tpu.core_type<tc>, window_params = [{transform_indices = @transform_0, window_bounds = array<i64: 300, 1024>}, {transform_indices = @transform_1, window_bounds = array<i64: 1024, 384>}]} {
    %get3A = arith.constant 0 : index
    %get3A_0 = arith.constant 0 : index
    %get3A_1 = vector.load %arg1[%get3A, %get3A_0] : memref<300x1024xf32, #tpu.memory_space<vmem>>, vector<300x1024xf32>
    %transpose3A = tpu.transpose %get3A_1, [1, 0] : vector<300x1024xf32> -> vector<1024x300xf32>
    %broadcast_in_dim3A = arith.constant 0.000000e+00 : f32
    %broadcast_in_dim3A_2 = vector.broadcast %broadcast_in_dim3A : f32 to vector<1024x84xf32>
    %concatenate3A = tpu.concatenate %transpose3A, %broadcast_in_dim3A_2 in 1 : vector<1024x300xf32>, vector<1024x84xf32> -> vector<1024x384xf32>
    %swap3A = arith.constant 0 : index
    %swap3A_3 = arith.constant 0 : index
    %swap3A_4 = vector.load %arg2[%swap3A, %swap3A_3] : memref<1024x384xf32, #tpu.memory_space<vmem>>, vector<1024x384xf32>
    tpu.vector_store %arg2[%swap3A, %swap3A_3], %concatenate3A {strides = array<i32>} : memref<1024x384xf32, #tpu.memory_space<vmem>>, vector<1024x384xf32>,
    return
  }
  func.func @transform_0(%arg0: i32) -> (i32, i32) {
    %c0_i32 = arith.constant 0 : i32
    %c0_i32_0 = arith.constant 0 : i32
    return %c0_i32, %arg0 : i32, i32
  }
  func.func @transform_1(%arg0: i32) -> (i32, i32) {
    %c0_i32 = arith.constant 0 : i32
    %c0_i32_0 = arith.constant 0 : i32
    return %arg0, %c0_i32 : i32, i32
  }
}

module attributes {stable_mosaic.version = 14 : i64} {
  func.func @_head_body(%arg0: memref<8192x384xf32, #tpu.memory_space<vmem>>, %arg1: memref<300x2xf32, #tpu.memory_space<vmem>>, %arg2: memref<300x2xf32, #tpu.memory_space<vmem>>, %arg3: memref<1x2xf32, #tpu.memory_space<vmem>>, %arg4: memref<4096x1xi32, #tpu.memory_space<vmem>>, %arg5: memref<1x1xf32, #tpu.memory_space<vmem>>, %arg6: memref<4096x2xf32, #tpu.memory_space<vmem>>) attributes {dimension_semantics = [], scalar_prefetch = 0 : i64, scratch_operands = 0 : i64, tpu.core_type = #tpu.core_type<tc>} {
    %get3A = arith.constant 0 : index
    %get3A_0 = arith.constant 0 : index
    %get3A_1 = vector.load %arg0[%get3A, %get3A_0] : memref<8192x384xf32, #tpu.memory_space<vmem>>, vector<4096x300xf32>
    %get3A_2 = arith.constant 0 : index
    %get3A_3 = arith.constant 0 : index
    %get3A_4 = vector.load %arg1[%get3A_2, %get3A_3] : memref<300x2xf32, #tpu.memory_space<vmem>>, vector<300x2xf32>
    %dot_general3A = arith.constant dense<0.000000e+00> : vector<4096x2xf32>
    %dot_general3A_5 = tpu.matmul %get3A_1, %get3A_4, %dot_general3A {dimension_numbers = #tpu.dot_dimension_numbers<[1], [0], [0], [1], [0, 0, 1, 1], [], []>, transpose_lhs_hint = false} : vector<4096x300xf32>, vector<300x2xf32>, vector<4096x2xf32> -> vector<4096x2xf32>
    %get3A_6 = arith.constant 4096 : index
    %get3A_7 = arith.constant 0 : index
    %get3A_8 = vector.load %arg0[%get3A_6, %get3A_7] : memref<8192x384xf32, #tpu.memory_space<vmem>>, vector<4096x300xf32>
    %get3A_9 = arith.constant 0 : index
    %get3A_10 = arith.constant 0 : index
    %get3A_11 = vector.load %arg2[%get3A_9, %get3A_10] : memref<300x2xf32, #tpu.memory_space<vmem>>, vector<300x2xf32>
    %dot_general3A_12 = arith.constant dense<0.000000e+00> : vector<4096x2xf32>
    %dot_general3A_13 = tpu.matmul %get3A_8, %get3A_11, %dot_general3A_12 {dimension_numbers = #tpu.dot_dimension_numbers<[1], [0], [0], [1], [0, 0, 1, 1], [], []>, transpose_lhs_hint = false} : vector<4096x300xf32>, vector<300x2xf32>, vector<4096x2xf32> -> vector<4096x2xf32>
    %add3A = arith.addf %dot_general3A_5, %dot_general3A_13 : vector<4096x2xf32>
    %get3A_14 = arith.constant 0 : index
    %get3A_15 = arith.constant 0 : index
    %get3A_16 = vector.load %arg3[%get3A_14, %get3A_15] : memref<1x2xf32, #tpu.memory_space<vmem>>, vector<1x2xf32>
    %add3A_17 = vector.broadcast %get3A_16 : vector<1x2xf32> to vector<4096x2xf32>
    %add3A_18 = arith.addf %add3A, %add3A_17 : vector<4096x2xf32>
    %reduce_max3A = arith.constant dense<0xFF800000> : vector<4096xf32>
    %reduce_max3A_19 = vector.multi_reduction <maximumf>, %add3A_18, %reduce_max3A [1] : vector<4096x2xf32> to vector<4096xf32>
    %broadcast_in_dim3A = vector.shape_cast %reduce_max3A_19 : vector<4096xf32> to vector<4096x1xf32>
    %sub3A = vector.broadcast %broadcast_in_dim3A : vector<4096x1xf32> to vector<4096x2xf32>
    %sub3A_20 = arith.subf %add3A_18, %sub3A : vector<4096x2xf32>
    %exp3A = math.exp %sub3A_20 : vector<4096x2xf32>
    %reduce_sum3A = arith.constant dense<0.000000e+00> : vector<4096xf32>
    %reduce_sum3A_21 = vector.multi_reduction <add>, %exp3A, %reduce_sum3A [1] : vector<4096x2xf32> to vector<4096xf32>
    %broadcast_in_dim3A_22 = vector.shape_cast %reduce_sum3A_21 : vector<4096xf32> to vector<4096x1xf32>
    %log3A = math.log %broadcast_in_dim3A_22 : vector<4096x1xf32>
    %add3A_23 = arith.addf %broadcast_in_dim3A, %log3A : vector<4096x1xf32>
    %get3A_24 = arith.constant 0 : index
    %get3A_25 = arith.constant 0 : index
    %get3A_26 = vector.load %arg4[%get3A_24, %get3A_25] : memref<4096x1xi32, #tpu.memory_space<vmem>>, vector<4096x1xi32>
    %eq3A = arith.constant 0 : i32
    %eq3A_27 = vector.broadcast %eq3A : i32 to vector<4096x1xi32>
    %eq3A_28 = arith.cmpi eq, %get3A_26, %eq3A_27 : vector<4096x1xi32>
    %slice3A = vector.extract_strided_slice %add3A_18 {offsets = [0, 0], sizes = [4096, 1], strides = [1, 1]} : vector<4096x2xf32> to vector<4096x1xf32>
    %slice3A_29 = vector.extract_strided_slice %add3A_18 {offsets = [0, 1], sizes = [4096, 1], strides = [1, 1]} : vector<4096x2xf32> to vector<4096x1xf32>
    %select_n3A = arith.select %eq3A_28, %slice3A, %slice3A_29 : vector<4096x1xi1>, vector<4096x1xf32>
    %sub3A_30 = arith.subf %add3A_23, %select_n3A : vector<4096x1xf32>
    %reduce_sum3A_31 = arith.constant dense<0.000000e+00> : vector<1xf32>
    %reduce_sum3A_32 = vector.multi_reduction <add>, %sub3A_30, %reduce_sum3A_31 [0] : vector<4096x1xf32> to vector<1xf32>
    %broadcast_in_dim3A_33 = vector.shape_cast %reduce_sum3A_32 : vector<1xf32> to vector<1x1xf32>
    %mul3A = arith.constant 2.44140625E-4 : f32
    %mul3A_34 = vector.broadcast %mul3A : f32 to vector<1x1xf32>
    %mul3A_35 = arith.mulf %broadcast_in_dim3A_33, %mul3A_34 : vector<1x1xf32>
    %swap3A = arith.constant 0 : index
    %swap3A_36 = arith.constant 0 : index
    %swap3A_37 = vector.load %arg5[%swap3A, %swap3A_36] : memref<1x1xf32, #tpu.memory_space<vmem>>, vector<1x1xf32>
    tpu.vector_store %arg5[%swap3A, %swap3A_36], %mul3A_35 {strides = array<i32>} : memref<1x1xf32, #tpu.memory_space<vmem>>, vector<1x1xf32>,
    %swap3A_38 = arith.constant 0 : index
    %swap3A_39 = arith.constant 0 : index
    %swap3A_40 = vector.load %arg6[%swap3A_38, %swap3A_39] : memref<4096x2xf32, #tpu.memory_space<vmem>>, vector<4096x2xf32>
    tpu.vector_store %arg6[%swap3A_38, %swap3A_39], %add3A_18 {strides = array<i32>} : memref<4096x2xf32, #tpu.memory_space<vmem>>, vector<4096x2xf32>,
    return
  }
}

</mosaic_0001>

<sc_bundles>
// kernel: kernel.5.cloned.1.call-start
scs
__scs_entry_jumppad:
0x0: {  	(pc) =	sbr.rel $0x88, $3  }
0x1: {  	(tag) =	ssettag $0x0;
	lr =	simm.s32 $0x1  }
0x2: {  	[smem:$0x3F9B] =	sst lr;
	_ =	strace $0xD0000000  }
0x3: {  	_ = 	snop  }
0x4: {  	_ = 	snop  }
0x5: {  	_ = 	snop  }
0x6: {  	_ = 	snop  }
0x7: {  	_ = 	snop  }
__scs_overlays_trampoline_lowered:
0x8: {  	[smem:$0x3FAA] =	sst s0  }
0x9: {  	[smem:$0x3FAB] =	sst s1  }
0xa: {  	[smem:$0x3FAC] =	sst s2  }
0xb: {  	[smem:$0x3FAD] =	sst s3  }
0xc: {  	[smem:$0x3FAE] =	sst s4  }
0xd: {  	[smem:$0x3FAF] =	sst s5  }
0xe: {  	[smem:$0x3FB0] =	sst s6  }
0xf: {  	[smem:$0x3FB1] =	sst s7  }
0x10: {  	[smem:$0x3FB2] =	sst s8  }
0x11: {  	[smem:$0x3FB3] =	sst s9;
	s0 =	simm.s32 @!p0 $0x0  }
0x12: {  	s1 =	sld [smem:$0x3F99];
	s0 =	simm.s32 @p0 $0x1  }
0x13: {  	[smem:$0x3FB4] =	sst s0;
	s0 =	simm.s32 @!p1 $0x0  }
0x14: {  	s2 =	sld [smem:$0x3F98];
	s0 =	simm.s32 @p1 $0x1  }
0x15: {  	[smem:$0x3FB5] =	sst s0;
	s0 =	simm.s32 @!p2 $0x0  }
0x16: {  	s3 =	sld [smem:$0x3FDB];
	s0 =	simm.s32 @p2 $0x1  }
0x17: {  	s4 =	simm.s32 $0x1BF5;
	[smem:$0x3FB7] =	sst s0  }
0x18: {  	s0 =	sld [smem:$0x3F9A];
	_ =	swait.ge [sflag:s4], $0x0  }
0x19: {  	s7 =	sld [smem:$0x3F9B]  }
0x1a: {  	s8 =	sadd.s32 $0xFFFFE003, lr  }
0x1b: {  	s9 =	sadd.s32 $0xFFFFFEF7, lr;
	s5 =	simm.s32 $0xFFFFFFFF;
	p2 =	slt.u32 s8, $0xFFFFF086  }
0x1c: {  	p1 =	slt.u32 s9, $0xF7A;
	s5 =	simm.s32 @!p2 $0x0  }
0x1d: {  	s5 =	simm.s32 @p1 $0x1;
	p0 =	seq.s32 s7, s2  }
0x1e: {  	s7 =	smul.u32 @!p0 $0xF7A, s2;
	p2 =	seq.s32 @!p0 s5, $0x0  }
0x1f: {  	s9 =	smul.u32 $0xF7A, s1;
	s8 =	simm.s32 @!p0 $0x1BF5;
	p2 =	por !p2, p0  }
0x20: {  	[sflag:s8] =	ssyncset.s32 @!p0 $0xFFFFF086;
	s6 =	sadd.s32 @!p0 s3, s7;
	s7 =	simm.s32 @!p0 $0x108  }
0x21: {  	s3 =	sadd.s32 s3, s9;
	s6 =	sadd.s32 @!p0 $0x88, s6;
	s7 =	simm.s32 @p2 $0x1082  }
0x22: {  	[simem:s7], [sflag:s8] =	dma.local @!p0 [hbm:s6], $0xF7A  }
0x23: {  	s9 =	sor.u32 $0xD0000000, s2;
	s6 =	simm.s32 $0x108;
	_ =	swait.ge @!p0 [sflag:s8], $0x0  }
0x24: {  	s3 =	sadd.s32 $0x88, s3;
	s6 =	simm.s32 @!p1 $0x1082;
	[sflag:s4] =	ssyncset.s32 $0xFFFFF086  }
0x25: {  	[simem:s6], [sflag:s4] =	dma.local [hbm:s3], $0xF7A  }
0x26: {  	[smem:$0x3F9B] =	sst s1;
	(tag) =	ssettag s2;
	_ =	strace s9  }
0x27: {  	s1 =	sld [smem:$0x3FAB]  }
0x28: {  	s2 =	sld [smem:$0x3FAC]  }
0x29: {  	s4 =	sld [smem:$0x3FAE]  }
0x2a: {  	p0 =	seq.s32 s5, $0x0;
	s5 =	sld [smem:$0x3FAF]  }
0x2b: {  	s6 =	sld [smem:$0x3FB0]  }
0x2c: {  	s7 =	sld [smem:$0x3FB1]  }
0x2d: {  	s3 =	simm.s32 $0x108;
	s8 =	sld [smem:$0x3FB2]  }
0x2e: {  	s3 =	simm.s32 @!p0 $0x1082;
	s9 =	sld [smem:$0x3FB3]  }
0x2f: {  	lr =	sadd.s32 s0, s3;
	s0 =	sld [smem:$0x3FAA]  }
0x30: {  	s3 =	sld [smem:$0x3FAD]  }
0x31: {  	[smem:$0x3FB6] =	sst s10  }
0x32: {  	s10 =	sld [smem:$0x3FB4];
	_ =	sdelay $0x3  }
0x33: {  	p0 =	seq.s32 s10, $0x1;
	s10 =	sld [smem:$0x3FB6];
	_ =	sdelay $0x3  }
0x34: {  	[smem:$0x3FB6] =	sst s10  }
0x35: {  	s10 =	sld [smem:$0x3FB5];
	_ =	sdelay $0x3  }
0x36: {  	p1 =	seq.s32 s10, $0x1;
	s10 =	sld [smem:$0x3FB6];
	_ =	sdelay $0x3  }
0x37: {  	[smem:$0x3FB6] =	sst s10  }
0x38: {  	s10 =	sld [smem:$0x3FB7]  }
0x39: {  	_ = 	snop;
	(pc) =	sbr.ind lr, $3  }
0x3a: {  	_ = 	snop  }
0x3b: {  	_ = 	snop  }
0x3c: {  	p2 =	seq.s32 s10, $0x1;
	s10 =	sld [smem:$0x3FB6]  }
0x3d: {  	_ =	shalt  }
0x3e: {  	_ =	shalt  }
0x3f: {  	_ =	shalt  }
0x40: {  	_ =	shalt  }
0x41: {  	_ =	shalt  }
0x42: {  	_ =	shalt  }
0x43: {  	_ =	shalt  }
0x44: {  	_ =	shalt  }
0x45: {  	_ =	shalt  }
0x46: {  	_ =	shalt  }
0x47: {  	_ =	shalt  }
0x48: {  	_ =	shalt  }
0x49: {  	_ =	shalt  }
0x4a: {  	_ =	shalt  }
0x4b: {  	_ =	shalt  }
0x4c: {  	_ =	shalt  }
0x4d: {  	_ =	shalt  }
0x4e: {  	_ =	shalt  }
0x4f: {  	_ =	shalt  }
0x50: {  	_ =	shalt  }
0x51: {  	_ =	shalt  }
0x52: {  	_ =	shalt  }
0x53: {  	_ =	shalt  }
0x54: {  	_ =	shalt  }
0x55: {  	_ =	shalt  }
0x56: {  	_ =	shalt  }
0x57: {  	_ =	shalt  }
0x58: {  	_ =	shalt  }
0x59: {  	_ =	shalt  }
0x5a: {  	_ =	shalt  }
0x5b: {  	_ =	shalt  }
0x5c: {  	_ =	shalt  }
0x5d: {  	_ =	shalt  }
0x5e: {  	_ =	shalt  }
0x5f: {  	_ =	shalt  }
0x60: {  	_ =	shalt  }
0x61: {  	_ =	shalt  }
0x62: {  	_ =	shalt  }
0x63: {  	_ =	shalt  }
0x64: {  	_ =	shalt  }
0x65: {  	_ =	shalt  }
0x66: {  	_ =	shalt  }
0x67: {  	_ =	shalt  }
0x68: {  	_ =	shalt  }
0x69: {  	_ =	shalt  }
0x6a: {  	_ =	shalt  }
0x6b: {  	_ =	shalt  }
0x6c: {  	_ =	shalt  }
0x6d: {  	_ =	shalt  }
0x6e: {  	_ =	shalt  }
0x6f: {  	_ =	shalt  }
0x70: {  	_ =	shalt  }
0x71: {  	_ =	shalt  }
0x72: {  	_ =	shalt  }
0x73: {  	_ =	shalt  }
0x74: {  	_ =	shalt  }
0x75: {  	_ =	shalt  }
0x76: {  	_ =	shalt  }
0x77: {  	_ =	shalt  }
0x78: {  	_ =	shalt  }
0x79: {  	_ =	shalt  }
0x7a: {  	_ =	shalt  }
0x7b: {  	_ =	shalt  }
0x7c: {  	_ =	shalt  }
0x7d: {  	_ =	shalt  }
0x7e: {  	_ =	shalt  }
0x7f: {  	_ =	shalt  }
0x80: {  	_ =	shalt  }
0x81: {  	_ =	shalt  }
0x82: {  	_ =	shalt  }
0x83: {  	_ =	shalt  }
0x84: {  	_ =	shalt  }
0x85: {  	_ =	shalt  }
0x86: {  	_ =	shalt  }
0x87: {  	_ =	shalt  }
.Lfunc_end0:
.L_simem_size_0:
called_computation_lowered:
.L_overlay_start_0:
0x88: {  	s2 =	sld [smem:$0x3FD9]  }
0x89: {  	s3 =	sld [smem:$0x3FFE];
	_ =	sdelay $0x1  }
0x8a: {  	s1 =	srdreg.scid  }
0x8b: {  	s0 =	sand.u32 $0x1, s1  }
0x8c: {  	s16 =	sshll.u32 s0, $0xA;
	s2 =	sadd.s32 s3, s2  }
0x8d: {  	s2 =	sadd.s32 s2, s16  }
0x8e: {  	[smem:$0x3FC2] =	sst s2  }
0x8f: {  	_ = 	snop  }
0x90: {  	(tm) =	ssettm $0x1  }
0x91: {  	s17 =	sld [smem:$0x3FFB];
	_ =	sdelay $0x3  }
0x92: {  	_ =	strace s17  }
0x93: {  	s2 =	sld [smem:$0x3FFC];
	_ =	sdelay $0x3  }
0x94: {  	_ =	strace s2  }
0x95: {  	s2 =	sld [smem:$0x3FFD];
	_ =	sdelay $0x3  }
0x96: {  	_ =	strace s2  }
0x97: {  	_ =	strace $0x8FFFFFFF  }
0x98: {  	s18 =	sld [smem:$0x3FDB];
	_ =	sdelay $0x1  }
0x99: {  	s19 =	simm.s32 $_scs_section_size  }
0x9a: {  	s4 =	simm.s32 $_size__tile_overlayer_lowered;
	s5 =	simm.s32 $_tile_overlayer_lowered  }
0x9b: {  	s22 =	simm.s32 $0x1BFF;
	s21 =	sshll.u32 s5, $0x1;
	s2 =	sadd.s32 s19, s18  }
0x9c: {  	s6 =	simm.s32 $0x0;
	s20 =	sshll.u32 s4, $0x1;
	s4 =	sadd.s32 s21, s2  }
0x9d: {  	[timem:s6], [sflag:s22] =	dma.local [hbm:s4], s20  }
0x9e: {  	_ =	swait.ge [sflag:s22], s20  }
0x9f: {  	s3 =	ssub.s32 $0x0, s20;
	[sflag:s22] =	ssyncset.done $0x0  }
0xa0: {  	[sflag:s22] =	ssyncadd.s32 s3;
	_ =	sdelay $0x1  }
0xa1: {  	s23 =	simm.s32 $0x1B8B  }
0xa2: {  	_ =	swait.ge [sflag:s23], $0x1  }
0xa3: {  	[sflag:s23] =	ssyncset.done $0x0  }
0xa4: {  	s25 =	simm.s32 $0x1B8E;
	s24 =	sld [smem:$0x3FFE];
	[sflag:s23] =	ssyncadd.s32 $0xFFFFFFFF  }
0xa5: {  	s26 =	simm.s32 $execute0_lowered;
	[smem:$0x3FD2] =	sst s25  }
0xa6: {  	s4 =	sshll.u32 s26, $0x1;
	_ =	strace $0x80000046;
	[dreg:$0x1] =	wrdreg $0xFFFFFFFF  }
0xa7: {  	s28 =	simm.s32 $_size_execute0_lowered;
	s2 =	sadd.s32 s2, s4;
	[dreg:$0x0] =	wrdreg $0x0  }
0xa8: {  	s4 =	sshll.u32 s28, $0x1;
	[dreg:$0x2] =	wrdreg s2  }
0xa9: {  	[dreg:$0x3] =	wrdreg s4  }
0xaa: {  	[dreg:$0x4] =	wrdreg $0xC0  }
0xab: {  	_ =	task [dreg:s6], $0x5FFFF  }
0xac: {  	[dreg:$0x1] =	wrdreg $0xFFFFFFFF  }
0xad: {  	[dreg:$0x0] =	wrdreg $0x60  }
0xae: {  	[dreg:$0x2] =	wrdreg s24  }
0xaf: {  	[dreg:$0x3] =	wrdreg $0x9  }
0xb0: {  	_ =	task.clear_ibuf [dreg:s6], $0x4FFFF;
	_ =	strace $0x90000046  }
0xb1: {  	s29 =	simm.s32 $0x9;
	_ =	strace $0x80000048  }
0xb2: {  	_ =	swait.ge [sflag:s29], $0x1  }
0xb3: {  	[sflag:s29] =	ssyncadd.s32 $0xFFFFFFFF  }
0xb4: {  	_ =	strace $0x90000048  }
0xb5: {  	_ =	sfence  }
0xb6: {  	s30 =	sld [smem:$0x0];
	_ =	sdelay $0x2  }
0xb7: {  	s31 =	sshll.u32 s1, $0xD;
	s1 =	sshrl.u32 s1, $0x2  }
0xb8: {  	s3 =	sand.u32 $0x4000, s31;
	s1 =	sadd.s32 s1, s30  }
0xb9: {  	s0 =	sor.u32 s3, s0;
	s1 =	sshll.u32 s1, $0x11  }
0xba: {  	s0 =	sor.u32 s1, s0  }
0xbb: {  	s0 =	sadd.s32 $0x8F2B, s0  }
0xbc: {  	[sflag:s0] =	ssyncadd.remote.s32 $0x1  }
0xbd: {  	_ =	sfence.sel $0xFFFF  }
0xbe: {  	[dreg:$0x0] =	wrdreg $0xFFFFFFFF;
	(pc) =	sbr.abs _section_cstart, $3  }
0xbf: {  	[dreg:$0x1] =	wrdreg $0xFFFFFFFF  }
0xc0: {  	_ =	task.clear_ibuf [dreg:s6], $0x2FFFF;
	_ =	strace $0x9FFFFFFF  }
0xc1: {  	(tm) =	ssettm $0x7FFFFFFF  }
tec
execute0_lowered:
.L_overlay_start_1:
0x0: {  	(tag) =	ssettag $0x1  }
0x1: {  	s0 =	rddreg [dreg:$0x0]  }
0x2: {  	s1 =	srdreg.scid;
	s3 =	stileid.u32  }
0x3: {  	s2 =	simm.s32 $0x0;
	s21 =	simm.s32 $0xC400;
	s22 =	simm.s32 $0xC800  }
0x4: {  	s23 =	simm.s32 $0xD000;
	s24 =	simm.s32 $0xD400;
	s25 =	simm.s32 $0xDC00  }
0x5: {  	s28 =	simm.s32 $0xE800;
	s29 =	simm.s32 $0xEC00;
	s30 =	simm.s32 $0xF400  }
0x6: {  	s31 =	simm.s32 $0xF800;
	s8 =	simm.s32 $0x11000;
	s9 =	simm.s32 $0x11800  }
0x7: {  	s10 =	simm.s32 $0x11C00;
	s11 =	simm.s32 $0x12400;
	s12 =	simm.s32 $0x2  }
0x8: {  	s14 =	simm.s32 $0x0;
	s1 =	sand.u32 $0x1, s1;
	s3 =	sshll.u32 s3, $0x9  }
0x9: {  	[smem:$0x7FF] =	sst s2;
	s5 =	sadd.s32 $0x4B5000, s0;
	s4 =	sshll.u32 s1, $0x8  }
0xa: {  	_ =	strace $0x80000047;
	s1 =	ssub.s32 $0x2, s1;
	s3 =	sor.u32 s4, s3  }
.Ltmp0:
0xb: {  	s7 =	sshrl.u32 s1, $0x1;
	s4 =	sshll.u32 s3, $0x4;
	(pc) =	sbr.rel .LBB2_1-.Ltmp0, $4  }
0xc: {  	s1 =	ssub.s32 s1, s7;
	s7 =	sadd.s32 $0x21300, s0;
	s6 =	sadd.s32 s4, s0  }
0xd: {  	v2 =	vlaneseq.u32;
	s4 =	sadd.s32 $0x21200, s0;
	s26 =	smax.u32 s1, $0x1;
	s0 =	simm.s32 $0x10000  }
0xe: {  	vm0 =	vmmov $0xffff;
	vm1 =	vmmov $0xff;
	v1 =	vshrl.u32 v2, $0x3;
	s1 =	simm.s32 $0x10400;
	s6 =	sadd.s32 $0x1200, s6;
	[dreg:$0x3] =	wrdreg s26  }
0xf: {  	v0 =	vand.u32 $0x7, v2;
	v2 =	vor.u32 $0x8, v2;
	v1 =	vmul.u32 $0x8, v1;
	s26 =	simm.s32 $0xE000;
	[dreg:$0x2] =	wrdreg s6;
	s6 =	simm.s32 $0x10C00  }
.LBB2_11:
0x10: {  	s14 =	rddreg [dreg:$0x4]  }
0x11: {  	s13 =	rddreg [dreg:$0x3];
	s14 =	sadd.s32 $0x1, s14  }
0x12: {  	p0 =	sne.s32 s14, s13  }
.Ltmp1:
0x13: {  	_ = 	snop;
	(pc) =	sbr.rel @!p0 .LBB2_12-.Ltmp1, $1  }
0x14: {  	_ =	sdelay $0x3  }
.LBB2_1:
0x15: {  	[dreg:$0x4] =	wrdreg s14  }
0x16: {  	s13 =	rddreg [dreg:$0x2];
	s16 =	simm.s32 $0x3  }
0x17: {  	[tilespmem:s2], [sflag:$0x3] =	stream.linear.gather [hbm4b:s13+s2], $0x8000, $0x38;
	[tilespmem:$0x1E800] =	vst v63  }
0x18: {  	_ =	swait.ge [sflag:s16], $0x8000  }
0x19: {  	[sflag:s16] =	ssyncset.done $0x0  }
0x1a: {  	[sflag:s16] =	ssyncadd.s32 $0xFFFF8000  }
0x1b: {  	v3 =	vld [tilespmem:$0x0];
	_ =	sdelay $0x4  }
0x1c: {  	v4 =	vshrl.u32 v3, $0x3  }
0x1d: {  	v4 =	vmul.u32 $0x18, v4  }
0x1e: {  	v3 =	vand.u32 $0x7, v3  }
0x1f: {  	v3 =	vor.u32 v3, v4  }
0x20: {  	v4 =	vperm.xlane v3, v0;
	_ =	sdelay $0x1  }
0x21: {  	v4 =	vadd.s32 v1, v4;
	_ =	sdelay $0x1  }
0x22: {  	v3 =	vperm.xlane v3, v2;
	_ =	sdelay $0x1  }
0x23: {  	s17 =	simm.s32 $0x8000;
	v3 =	vadd.s32 v1, v3  }
0x24: {  	[tilespmem:s17], [sflag:$0x1] =	stream.indirect_vreg.gather [hbm4b:s4+s2], $0x80, v4, vm0, $0xb8;
	[tilespmem:$0x1E800] =	vst v63  }
0x25: {  	s18 =	simm.s32 $0x8800  }
0x26: {  	[tilespmem:s18], [sflag:$0x1] =	stream.indirect_vreg.gather [hbm4b:s7+s2], $0x80, v4, vm1, $0xb8;
	[tilespmem:$0x1E800] =	vst v63  }
0x27: {  	s19 =	simm.s32 $0x8C00  }
0x28: {  	[tilespmem:s19], [sflag:$0x1] =	stream.indirect_vreg.gather [hbm4b:s4+s2], $0x80, v3, vm0, $0xb8;
	[tilespmem:$0x1E800] =	vst v63  }
0x29: {  	s20 =	simm.s32 $0x9400  }
0x2a: {  	[tilespmem:s20], [sflag:$0x1] =	stream.indirect_vreg.gather [hbm4b:s7+s2], $0x80, v3, vm1, $0xb8;
	[tilespmem:$0x1E800] =	vst v63  }
0x2b: {  	v3 =	vld [tilespmem:$0x10];
	_ =	sdelay $0x4  }
0x2c: {  	v57 =	vshrl.u32 v3, $0x3  }
0x2d: {  	v4 =	vmul.u32 $0x18, v57  }
0x2e: {  	v3 =	vand.u32 $0x7, v3  }
0x2f: {  	v3 =	vor.u32 v3, v4  }
0x30: {  	v4 =	vperm.xlane v3, v0;
	_ =	sdelay $0x1  }
0x31: {  	v4 =	vadd.s32 v1, v4;
	_ =	sdelay $0x1  }
0x32: {  	v3 =	vperm.xlane v3, v2;
	_ =	sdelay $0x1  }
0x33: {  	s14 =	simm.s32 $0x9800;
	v3 =	vadd.s32 v1, v3  }
0x34: {  	[tilespmem:s14], [sflag:$0x1] =	stream.indirect_vreg.gather [hbm4b:s4+s2], $0x80, v4, vm0, $0xb8;
	[tilespmem:$0x1E800] =	vst v63  }
0x35: {  	s15 =	simm.s32 $0xA000  }
0x36: {  	[tilespmem:s15], [sflag:$0x1] =	stream.indirect_vreg.gather [hbm4b:s7+s2], $0x80, v4, vm1, $0xb8;
	[tilespmem:$0x1E800] =	vst v63  }
0x37: {  	s16 =	simm.s32 $0xA400  }
0x38: {  	[tilespmem:s16], [sflag:$0x1] =	stream.indirect_vreg.gather [hbm4b:s4+s2], $0x80, v3, vm0, $0xb8;
	[tilespmem:$0x1E800] =	vst v63  }
0x39: {  	s17 =	simm.s32 $0xAC00  }
0x3a: {  	[tilespmem:s17], [sflag:$0x1] =	stream.indirect_vreg.gather [hbm4b:s7+s2], $0x80, v3, vm1, $0xb8;
	[tilespmem:$0x1E800] =	vst v63  }
0x3b: {  	v3 =	vld [tilespmem:$0x20];
	_ =	sdelay $0x4  }
0x3c: {  	v58 =	vshrl.u32 v3, $0x3  }
0x3d: {  	v4 =	vmul.u32 $0x18, v58  }
0x3e: {  	v3 =	vand.u32 $0x7, v3  }
0x3f: {  	v3 =	vor.u32 v3, v4  }
0x40: {  	v4 =	vperm.xlane v3, v0;
	_ =	sdelay $0x1  }
0x41: {  	v4 =	vadd.s32 v1, v4;
	_ =	sdelay $0x1  }
0x42: {  	v3 =	vperm.xlane v3, v2;
	_ =	sdelay $0x1  }
0x43: {  	s18 =	simm.s32 $0xB000;
	v3 =	vadd.s32 v1, v3  }
0x44: {  	[tilespmem:s18], [sflag:$0x1] =	stream.indirect_vreg.gather [hbm4b:s4+s2], $0x80, v4, vm0, $0xb8;
	[tilespmem:$0x1E800] =	vst v63  }
0x45: {  	s19 =	simm.s32 $0xB800  }
0x46: {  	[tilespmem:s19], [sflag:$0x1] =	stream.indirect_vreg.gather [hbm4b:s7+s2], $0x80, v4, vm1, $0xb8;
	[tilespmem:$0x1E800] =	vst v63  }
0x47: {  	s20 =	simm.s32 $0xBC00  }
0x48: {  	[tilespmem:s20], [sflag:$0x1] =	stream.indirect_vreg.gather [hbm4b:s4+s2], $0x80, v3, vm0, $0xb8;
	[tilespmem:$0x1E800] =	vst v63  }
0x49: {  	_ = 	snop  }
0x4a: {  	[tilespmem:s21], [sflag:$0x1] =	stream.indirect_vreg.gather [hbm4b:s7+s2], $0x80, v3, vm1, $0xb8;
	[tilespmem:$0x1E800] =	vst v63  }
0x4b: {  	v3 =	vld.msk [tilespmem:$0x30], $0xff;
	_ =	sdelay $0x4  }
0x4c: {  	v59 =	vshrl.u32 v3, $0x3  }
0x4d: {  	v4 =	vmul.u32 $0x18, v59  }
0x4e: {  	v3 =	vand.u32 $0x7, v3  }
0x4f: {  	v3 =	vor.u32 v3, v4  }
0x50: {  	v3 =	vperm.xlane v3, v0;
	_ =	sdelay $0x1  }
0x51: {  	v3 =	vadd.s32 v1, v3;
	_ =	sdelay $0x4  }
0x52: {  	[tilespmem:s22], [sflag:$0x1] =	stream.indirect_vreg.gather [hbm4b:s4+s2], $0x80, v3, vm0, $0xb8;
	[tilespmem:$0x1E800] =	vst v63  }
0x53: {  	_ = 	snop  }
0x54: {  	[tilespmem:s23], [sflag:$0x1] =	stream.indirect_vreg.gather [hbm4b:s7+s2], $0x80, v3, vm1, $0xb8;
	[tilespmem:$0x1E800] =	vst v63  }
0x55: {  	v3 =	vld [tilespmem:$0x80];
	_ =	sdelay $0x4  }
0x56: {  	v60 =	vshrl.u32 v3, $0x3  }
0x57: {  	v4 =	vmul.u32 $0x18, v60  }
0x58: {  	v3 =	vand.u32 $0x7, v3  }
0x59: {  	v3 =	vor.u32 v3, v4  }
0x5a: {  	v4 =	vperm.xlane v3, v0;
	_ =	sdelay $0x1  }
0x5b: {  	v4 =	vadd.s32 v1, v4;
	_ =	sdelay $0x1  }
0x5c: {  	v3 =	vperm.xlane v3, v2;
	_ =	sdelay $0x1  }
0x5d: {  	v3 =	vadd.s32 v1, v3  }
0x5e: {  	[tilespmem:s24], [sflag:$0x2] =	stream.indirect_vreg.gather [hbm4b:s4+s2], $0x80, v4, vm0, $0xb8;
	[tilespmem:$0x1E800] =	vst v63  }
0x5f: {  	_ = 	snop  }
0x60: {  	[tilespmem:s25], [sflag:$0x2] =	stream.indirect_vreg.gather [hbm4b:s7+s2], $0x80, v4, vm1, $0xb8;
	[tilespmem:$0x1E800] =	vst v63  }
0x61: {  	_ = 	snop  }
0x62: {  	[tilespmem:s26], [sflag:$0x2] =	stream.indirect_vreg.gather [hbm4b:s4+s2], $0x80, v3, vm0, $0xb8;
	[tilespmem:$0x1E800] =	vst v63  }
0x63: {  	_ = 	snop  }
0x64: {  	[tilespmem:s28], [sflag:$0x2] =	stream.indirect_vreg.gather [hbm4b:s7+s2], $0x80, v3, vm1, $0xb8;
	[tilespmem:$0x1E800] =	vst v63  }
0x65: {  	v3 =	vld [tilespmem:$0x90];
	_ =	sdelay $0x4  }
0x66: {  	v61 =	vshrl.u32 v3, $0x3  }
0x67: {  	v4 =	vmul.u32 $0x18, v61  }
0x68: {  	v3 =	vand.u32 $0x7, v3  }
0x69: {  	v3 =	vor.u32 v3, v4  }
0x6a: {  	v4 =	vperm.xlane v3, v0;
	_ =	sdelay $0x1  }
0x6b: {  	v4 =	vadd.s32 v1, v4;
	_ =	sdelay $0x1  }
0x6c: {  	v3 =	vperm.xlane v3, v2;
	_ =	sdelay $0x1  }
0x6d: {  	v3 =	vadd.s32 v1, v3  }
0x6e: {  	[tilespmem:s29], [sflag:$0x2] =	stream.indirect_vreg.gather [hbm4b:s4+s2], $0x80, v4, vm0, $0xb8;
	[tilespmem:$0x1E800] =	vst v63  }
0x6f: {  	_ = 	snop  }
0x70: {  	[tilespmem:s30], [sflag:$0x2] =	stream.indirect_vreg.gather [hbm4b:s7+s2], $0x80, v4, vm1, $0xb8;
	[tilespmem:$0x1E800] =	vst v63  }
0x71: {  	_ = 	snop  }
0x72: {  	[tilespmem:s31], [sflag:$0x2] =	stream.indirect_vreg.gather [hbm4b:s4+s2], $0x80, v3, vm0, $0xb8;
	[tilespmem:$0x1E800] =	vst v63  }
0x73: {  	_ = 	snop  }
0x74: {  	[tilespmem:s0], [sflag:$0x2] =	stream.indirect_vreg.gather [hbm4b:s7+s2], $0x80, v3, vm1, $0xb8;
	[tilespmem:$0x1E800] =	vst v63  }
0x75: {  	v3 =	vld [tilespmem:$0xA0];
	_ =	sdelay $0x4  }
0x76: {  	v62 =	vshrl.u32 v3, $0x3  }
0x77: {  	v4 =	vmul.u32 $0x18, v62  }
0x78: {  	v3 =	vand.u32 $0x7, v3  }
0x79: {  	v3 =	vor.u32 v3, v4  }
0x7a: {  	v4 =	vperm.xlane v3, v0;
	_ =	sdelay $0x1  }
0x7b: {  	v4 =	vadd.s32 v1, v4;
	_ =	sdelay $0x1  }
0x7c: {  	v3 =	vperm.xlane v3, v2;
	_ =	sdelay $0x1  }
0x7d: {  	v3 =	vadd.s32 v1, v3  }
0x7e: {  	[tilespmem:s1], [sflag:$0x2] =	stream.indirect_vreg.gather [hbm4b:s4+s2], $0x80, v4, vm0, $0xb8;
	[tilespmem:$0x1E800] =	vst v63  }
0x7f: {  	_ = 	snop  }
0x80: {  	[tilespmem:s6], [sflag:$0x2] =	stream.indirect_vreg.gather [hbm4b:s7+s2], $0x80, v4, vm1, $0xb8;
	[tilespmem:$0x1E800] =	vst v63  }
0x81: {  	_ = 	snop  }
0x82: {  	[tilespmem:s8], [sflag:$0x2] =	stream.indirect_vreg.gather [hbm4b:s4+s2], $0x80, v3, vm0, $0xb8;
	[tilespmem:$0x1E800] =	vst v63  }
0x83: {  	_ = 	snop  }
0x84: {  	[tilespmem:s9], [sflag:$0x2] =	stream.indirect_vreg.gather [hbm4b:s7+s2], $0x80, v3, vm1, $0xb8;
	[tilespmem:$0x1E800] =	vst v63  }
0x85: {  	v3 =	vld.msk [tilespmem:$0xB0], $0xff;
	_ =	sdelay $0x4  }
0x86: {  	v63 =	vshrl.u32 v3, $0x3  }
0x87: {  	v4 =	vmul.u32 $0x18, v63  }
0x88: {  	v3 =	vand.u32 $0x7, v3  }
0x89: {  	v3 =	vor.u32 v3, v4  }
0x8a: {  	v3 =	vperm.xlane v3, v0;
	_ =	sdelay $0x1  }
0x8b: {  	v3 =	vadd.s32 v1, v3;
	_ =	sdelay $0x2  }
.Ltmp2:
0x8c: {  	_ = 	snop;
	(pc) =	sbr.rel .LBB2_2-.Ltmp2, $4  }
0x8d: {  	_ = 	snop  }
0x8e: {  	[tilespmem:s10], [sflag:$0x2] =	stream.indirect_vreg.gather [hbm4b:s4+s2], $0x80, v3, vm0, $0xb8;
	[tilespmem:$0x1E800] =	vst v63  }
0x8f: {  	s13 =	simm.s32 $0x0  }
0x90: {  	[tilespmem:s11], [sflag:$0x2] =	stream.indirect_vreg.gather [hbm4b:s7+s2], $0x80, v3, vm1, $0xb8;
	[tilespmem:$0x1E800] =	vst v63  }
.LBB2_10:
0x91: {  	p0 =	sne.s32 s16, $0x7F  }
0x92: {  	s14 =	sand.u32 @!p0 $0x80, s15  }
0x93: {  	s14 =	sor.u32 @!p0 s3, s14  }
0x94: {  	s14 =	sshrl.u32 @!p0 s14, $0x3  }
0x95: {  	s14 =	smul.u32 @!p0 $0x180, s14  }
0x96: {  	s13 =	sadd.s32 $0x1, s13;
	s15 =	simm.s32 @!p0 $0x0  }
0x97: {  	s16 =	simm.s32 @!p0 $0x12800;
	p1 =	sne.s32 s13, $0x80;
	s14 =	sadd.s32 @!p0 s5, s14  }
0x98: {  	[hbm4b:s14+s15] =	stream.linear.scatter @!p0 [tilespmem:s16], [sflag:$0x3], $0xC000, $0x38;
	[tilespmem:$0x1E800] =	vst v63  }
.Ltmp3:
0x99: {  	_ = 	snop;
	(pc) =	sbr.rel @!p1 .LBB2_11-.Ltmp3, $4  }
0x9a: {  	s14 =	simm.s32 @!p0 $0x3  }
0x9b: {  	_ =	swait.ge @!p0 [sflag:s14], $0xC000  }
0x9c: {  	[sflag:s14] =	ssyncset.done @!p0 $0x0  }
0x9d: {  	[sflag:s14] =	ssyncadd.s32 @!p0 $0xFFFF4000  }
.LBB2_2:
0x9e: {  	s14 =	simm.s32 $0x1  }
0x9f: {  	_ =	swait.ge [sflag:s14], $0x5400  }
0xa0: {  	[sflag:s14] =	ssyncset.done $0x0  }
0xa1: {  	[sflag:s14] =	ssyncadd.s32 $0xFFFFAC00  }
0xa2: {  	v13 =	vld [tilespmem:$0x8000]  }
0xa3: {  	v14 =	vld [tilespmem:$0x8010]  }
0xa4: {  	v15 =	vld [tilespmem:$0x8020]  }
0xa5: {  	v16 =	vld [tilespmem:$0x8030]  }
0xa6: {  	v17 =	vld [tilespmem:$0x8040]  }
0xa7: {  	v23 =	vld [tilespmem:$0x8050]  }
0xa8: {  	v26 =	vld [tilespmem:$0x8060]  }
0xa9: {  	v27 =	vld [tilespmem:$0x8070]  }
0xaa: {  	v28 =	vld [tilespmem:$0x8400]  }
0xab: {  	v12 =	vld [tilespmem:$0x8410]  }
0xac: {  	v11 =	vld [tilespmem:$0x8420]  }
0xad: {  	v9 =	vld [tilespmem:$0x8430]  }
0xae: {  	v8 =	vld [tilespmem:$0x8440]  }
0xaf: {  	v7 =	vld [tilespmem:$0x8450]  }
0xb0: {  	s20 =	simm.s32 $0x0;
	v6 =	vld [tilespmem:$0x8460]  }
0xb1: {  	s15 =	smul.u32 $0x3000, s20;
	v5 =	vld [tilespmem:$0x8470]  }
0xb2: {  	s14 =	simm.s32 $0x80;
	v4 =	vld [tilespmem:$0x8800]  }
0xb3: {  	s15 =	sshra.s32 s15, $0x2;
	v3 =	vld [tilespmem:$0x8810];
	s16 =	sand.u32 $0x380, s14  }
0xb4: {  	v10 =	vld [tilespmem:$0x8820];
	s15 =	sor.u32 s16, s15  }
0xb5: {  	v18 =	vld [tilespmem:s15+$0x8820]  }
0xb6: {  	v19 =	vld [tilespmem:s15+$0x8000]  }
0xb7: {  	v20 =	vld [tilespmem:s15+$0x8010]  }
0xb8: {  	v22 =	vld [tilespmem:s15+$0x8020]  }
0xb9: {  	v29 =	vld [tilespmem:s15+$0x8030]  }
0xba: {  	v30 =	vld [tilespmem:s15+$0x8040]  }
0xbb: {  	v31 =	vld [tilespmem:s15+$0x8050]  }
0xbc: {  	v32 =	vld [tilespmem:s15+$0x8060]  }
0xbd: {  	v33 =	vld [tilespmem:s15+$0x8070]  }
0xbe: {  	v34 =	vld [tilespmem:s15+$0x8400]  }
0xbf: {  	v25 =	vld [tilespmem:s15+$0x8410]  }
0xc0: {  	v24 =	vld [tilespmem:s15+$0x8420];
	v10 =	vmax.f32 v10, v18  }
0xc1: {  	v21 =	vmax.f32 v13, v19;
	v20 =	vmax.f32 v14, v20;
	v18 =	vmax.f32 v15, v22;
	v22 =	vld [tilespmem:s15+$0x8430]  }
0xc2: {  	v19 =	vmax.f32 v16, v29;
	v17 =	vmax.f32 v17, v30;
	v15 =	vmax.f32 v23, v31;
	v23 =	vld [tilespmem:s15+$0x8440]  }
0xc3: {  	s17 =	simm.s32 $0x0;
	s16 =	simm.s32 $0x3;
	v16 =	vmax.f32 v26, v32;
	v13 =	vmax.f32 v27, v33;
	v14 =	vmax.f32 v28, v34;
	v26 =	vld [tilespmem:s15+$0x8450]  }
.LBB2_3:
0xc4: {  	p0 =	sne.s32 s16, $0x37;
	s17 =	smul.u32 $0x3000, s17;
	v12 =	vmax.f32 v12, v25;
	v25 =	vld [tilespmem:s15+$0x8460]  }
0xc5: {  	s14 =	sadd.s32 $0x80, s14;
	v11 =	vmax.f32 v11, v24;
	v24 =	vld [tilespmem:s15+$0x8470]  }
0xc6: {  	s18 =	sand.u32 $0x380, s14;
	s17 =	sshra.s32 s17, $0x2;
	v9 =	vmax.f32 v9, v22;
	v22 =	vld [tilespmem:s15+$0x8800]  }
0xc7: {  	v8 =	vmax.f32 v8, v23;
	v23 =	vld [tilespmem:s15+$0x8810];
	s15 =	sor.u32 s18, s17  }
0xc8: {  	v27 =	vld [tilespmem:s15+$0x8820];
	v7 =	vmax.f32 v7, v26  }
0xc9: {  	v26 =	vld [tilespmem:s15+$0x8000];
	v6 =	vmax.f32 v6, v25  }
0xca: {  	v25 =	vld [tilespmem:s15+$0x8010];
	v5 =	vmax.f32 v5, v24  }
0xcb: {  	v24 =	vld [tilespmem:s15+$0x8020];
	v4 =	vmax.f32 v4, v22  }
0xcc: {  	v22 =	vld [tilespmem:s15+$0x8030];
	v3 =	vmax.f32 v3, v23  }
0xcd: {  	v23 =	vld [tilespmem:s15+$0x8040];
	v10 =	vmax.f32 v10, v27  }
0xce: {  	v21 =	vmax.f32 v21, v26;
	v26 =	vld [tilespmem:s15+$0x8050]  }
0xcf: {  	v20 =	vmax.f32 v20, v25;
	v27 =	vld [tilespmem:s15+$0x8060]  }
0xd0: {  	v18 =	vmax.f32 v18, v24;
	v28 =	vld [tilespmem:s15+$0x8070]  }
0xd1: {  	v19 =	vmax.f32 v19, v22;
	v29 =	vld [tilespmem:s15+$0x8400]  }
.Ltmp4:
0xd2: {  	v17 =	vmax.f32 v17, v23;
	v25 =	vld [tilespmem:s15+$0x8410];
	(pc) =	sbr.rel @p0 .LBB2_3-.Ltmp4, $4  }
0xd3: {  	v15 =	vmax.f32 v15, v26;
	v24 =	vld [tilespmem:s15+$0x8420]  }
0xd4: {  	v16 =	vmax.f32 v16, v27;
	v22 =	vld [tilespmem:s15+$0x8430]  }
0xd5: {  	v13 =	vmax.f32 v13, v28;
	v23 =	vld [tilespmem:s15+$0x8440]  }
0xd6: {  	s17 =	sshrl.u32 s16, $0x3;
	s16 =	sadd.s32 $0x1, s16;
	v14 =	vmax.f32 v14, v29;
	v26 =	vld [tilespmem:s15+$0x8450]  }
0xd7: {  	s16 =	smul.u32 $0x3000, s17;
	v27 =	vld [tilespmem:s15+$0x8460]  }
0xd8: {  	v28 =	vld [tilespmem:s15+$0x8470];
	s14 =	sadd.s32 $0x80, s14  }
0xd9: {  	v29 =	vld [tilespmem:s15+$0x8800];
	s14 =	sand.u32 $0x380, s14;
	s16 =	sshra.s32 s16, $0x2  }
0xda: {  	v30 =	vld [tilespmem:s15+$0x8810];
	s16 =	sor.u32 s14, s16  }
0xdb: {  	v31 =	vld [tilespmem:s16+$0x8820]  }
0xdc: {  	v32 =	vld [tilespmem:s16+$0x8000]  }
0xdd: {  	v33 =	vld [tilespmem:s16+$0x8010]  }
0xde: {  	v34 =	vld [tilespmem:s16+$0x8020]  }
0xdf: {  	v35 =	vld [tilespmem:s16+$0x8030]  }
0xe0: {  	v36 =	vld [tilespmem:s16+$0x8040]  }
0xe1: {  	v37 =	vld [tilespmem:s16+$0x8050]  }
0xe2: {  	v38 =	vld [tilespmem:s16+$0x8060]  }
0xe3: {  	v39 =	vld [tilespmem:s16+$0x8070]  }
0xe4: {  	v40 =	vld [tilespmem:s16+$0x8400]  }
0xe5: {  	v41 =	vld [tilespmem:s16+$0x8410]  }
0xe6: {  	v42 =	vld [tilespmem:s16+$0x8420]  }
0xe7: {  	s18 =	sshrl.u32 s13, $0x2;
	v43 =	vld [tilespmem:s16+$0x8430]  }
0xe8: {  	s14 =	sand.u32 $0xF, s18;
	v44 =	vld [tilespmem:s16+$0x8440]  }
0xe9: {  	v45 =	vld [tilespmem:s16+$0x8450];
	s19 =	smul.u32 $0x3000, s14  }
0xea: {  	v46 =	vld [tilespmem:s16+$0x8460];
	s14 =	sshll.u32 s13, $0x8  }
0xeb: {  	v47 =	vld [tilespmem:s16+$0x8470];
	s20 =	sand.u32 $0x300, s14;
	s15 =	sshrl.u32 s19, $0x2  }
0xec: {  	v48 =	vld [tilespmem:s16+$0x8800];
	s15 =	sor.u32 s20, s15;
	v21 =	vmax.f32 v21, v32  }
0xed: {  	v49 =	vld [tilespmem:s16+$0x8810];
	s18 =	sadd.s32 $0x12800, s15;
	v17 =	vmax.f32 v17, v36;
	[tilespmem:s15+$0x12800] =	vst v21  }
0xee: {  	v15 =	vmax.f32 v15, v37;
	[tilespmem:s18+$0x40] =	vst v17  }
0xef: {  	v16 =	vmax.f32 v16, v38;
	[tilespmem:s18+$0x50] =	vst v15  }
0xf0: {  	v13 =	vmax.f32 v13, v39;
	[tilespmem:s18+$0x60] =	vst v16  }
0xf1: {  	v20 =	vmax.f32 v20, v33;
	[tilespmem:s18+$0x70] =	vst v13  }
0xf2: {  	v18 =	vmax.f32 v18, v34;
	[tilespmem:s18+$0x10] =	vst v20  }
0xf3: {  	v19 =	vmax.f32 v19, v35;
	[tilespmem:s18+$0x20] =	vst v18  }
0xf4: {  	v8 =	vmax.f32 v8, v23;
	v14 =	vmax.f32 v14, v40;
	[tilespmem:s18+$0x30] =	vst v19  }
0xf5: {  	v7 =	vmax.f32 v7, v26;
	s19 =	sadd.s32 $0x12C00, s15;
	v8 =	vmax.f32 v8, v44;
	[tilespmem:s15+$0x12C00] =	vst v14  }
0xf6: {  	v6 =	vmax.f32 v6, v27;
	v7 =	vmax.f32 v7, v45;
	[tilespmem:s19+$0x40] =	vst v8  }
0xf7: {  	v5 =	vmax.f32 v5, v28;
	v6 =	vmax.f32 v6, v46;
	[tilespmem:s19+$0x50] =	vst v7  }
0xf8: {  	v12 =	vmax.f32 v12, v25;
	v5 =	vmax.f32 v5, v47;
	[tilespmem:s19+$0x60] =	vst v6  }
0xf9: {  	v11 =	vmax.f32 v11, v24;
	v12 =	vmax.f32 v12, v41;
	[tilespmem:s19+$0x70] =	vst v5  }
0xfa: {  	p0 =	seq.s32 s13, $0x7F;
	v9 =	vmax.f32 v9, v22;
	v11 =	vmax.f32 v11, v42;
	[tilespmem:s19+$0x10] =	vst v12  }
.Ltmp5:
0xfb: {  	v4 =	vmax.f32 v4, v29;
	v9 =	vmax.f32 v9, v43;
	[tilespmem:s19+$0x20] =	vst v11;
	(pc) =	sbr.rel @p0 .LBB2_6-.Ltmp5, $4  }
0xfc: {  	v3 =	vmax.f32 v3, v30;
	v4 =	vmax.f32 v4, v48;
	[tilespmem:s19+$0x30] =	vst v9  }
0xfd: {  	s20 =	sadd.s32 $0x13000, s15;
	v3 =	vmax.f32 v3, v49;
	[tilespmem:s15+$0x13000] =	vst v4  }
0xfe: {  	v63 =	vmax.f32 v10, v31;
	[tilespmem:s20+$0x10] =	vst v3  }
0xff: {  	[tilespmem:s20+$0x20] =	vst v63  }
0x100: {  	s15 =	sand.u32 $0x3FFFFF00, s14  }
0x101: {  	v3 =	vld [tilespmem:s15+$0x100];
	_ =	sdelay $0x4  }
0x102: {  	v4 =	vshrl.u32 v3, $0x3  }
0x103: {  	v4 =	vmul.u32 $0x18, v4  }
0x104: {  	v3 =	vand.u32 $0x7, v3  }
0x105: {  	v3 =	vor.u32 v3, v4  }
0x106: {  	v4 =	vperm.xlane v3, v0;
	_ =	sdelay $0x1  }
0x107: {  	v4 =	vadd.s32 v1, v4;
	_ =	sdelay $0x1  }
0x108: {  	v3 =	vperm.xlane v3, v2;
	_ =	sdelay $0x1  }
0x109: {  	s16 =	simm.s32 $0x8000;
	v3 =	vadd.s32 v1, v3  }
0x10a: {  	[tilespmem:s16], [sflag:$0x1] =	stream.indirect_vreg.gather [hbm4b:s4+s2], $0x80, v4, vm0, $0xb8;
	[tilespmem:$0x1E800] =	vst v63  }
0x10b: {  	s19 =	simm.s32 $0x8800  }
0x10c: {  	[tilespmem:s19], [sflag:$0x1] =	stream.indirect_vreg.gather [hbm4b:s7+s2], $0x80, v4, vm1, $0xb8;
	[tilespmem:$0x1E800] =	vst v63  }
0x10d: {  	s20 =	simm.s32 $0x8C00  }
0x10e: {  	[tilespmem:s20], [sflag:$0x1] =	stream.indirect_vreg.gather [hbm4b:s4+s2], $0x80, v3, vm0, $0xb8;
	[tilespmem:$0x1E800] =	vst v63  }
0x10f: {  	s17 =	simm.s32 $0x9400  }
0x110: {  	[tilespmem:s17], [sflag:$0x1] =	stream.indirect_vreg.gather [hbm4b:s7+s2], $0x80, v3, vm1, $0xb8;
	[tilespmem:$0x1E800] =	vst v63  }
0x111: {  	v3 =	vld [tilespmem:s15+$0x110];
	_ =	sdelay $0x4  }
0x112: {  	v61 =	vshrl.u32 v3, $0x3  }
0x113: {  	v4 =	vmul.u32 $0x18, v61  }
0x114: {  	v3 =	vand.u32 $0x7, v3  }
0x115: {  	v3 =	vor.u32 v3, v4  }
0x116: {  	v4 =	vperm.xlane v3, v0;
	_ =	sdelay $0x1  }
0x117: {  	v4 =	vadd.s32 v1, v4;
	_ =	sdelay $0x1  }
0x118: {  	v3 =	vperm.xlane v3, v2;
	_ =	sdelay $0x1  }
0x119: {  	s18 =	simm.s32 $0x9800;
	v3 =	vadd.s32 v1, v3  }
0x11a: {  	[tilespmem:s18], [sflag:$0x1] =	stream.indirect_vreg.gather [hbm4b:s4+s2], $0x80, v4, vm0, $0xb8;
	[tilespmem:$0x1E800] =	vst v63  }
0x11b: {  	s19 =	simm.s32 $0xA000  }
0x11c: {  	[tilespmem:s19], [sflag:$0x1] =	stream.indirect_vreg.gather [hbm4b:s7+s2], $0x80, v4, vm1, $0xb8;
	[tilespmem:$0x1E800] =	vst v63  }
0x11d: {  	s20 =	simm.s32 $0xA400  }
0x11e: {  	[tilespmem:s20], [sflag:$0x1] =	stream.indirect_vreg.gather [hbm4b:s4+s2], $0x80, v3, vm0, $0xb8;
	[tilespmem:$0x1E800] =	vst v63  }
0x11f: {  	s17 =	simm.s32 $0xAC00  }
0x120: {  	[tilespmem:s17], [sflag:$0x1] =	stream.indirect_vreg.gather [hbm4b:s7+s2], $0x80, v3, vm1, $0xb8;
	[tilespmem:$0x1E800] =	vst v63  }
0x121: {  	v3 =	vld [tilespmem:s15+$0x120];
	_ =	sdelay $0x4  }
0x122: {  	v62 =	vshrl.u32 v3, $0x3  }
0x123: {  	v4 =	vmul.u32 $0x18, v62  }
0x124: {  	v3 =	vand.u32 $0x7, v3  }
0x125: {  	v3 =	vor.u32 v3, v4  }
0x126: {  	v4 =	vperm.xlane v3, v0;
	_ =	sdelay $0x1  }
0x127: {  	v4 =	vadd.s32 v1, v4;
	_ =	sdelay $0x1  }
0x128: {  	v3 =	vperm.xlane v3, v2;
	_ =	sdelay $0x1  }
0x129: {  	s18 =	simm.s32 $0xB000;
	v3 =	vadd.s32 v1, v3  }
0x12a: {  	[tilespmem:s18], [sflag:$0x1] =	stream.indirect_vreg.gather [hbm4b:s4+s2], $0x80, v4, vm0, $0xb8;
	[tilespmem:$0x1E800] =	vst v63  }
0x12b: {  	s19 =	simm.s32 $0xB800  }
0x12c: {  	[tilespmem:s19], [sflag:$0x1] =	stream.indirect_vreg.gather [hbm4b:s7+s2], $0x80, v4, vm1, $0xb8;
	[tilespmem:$0x1E800] =	vst v63  }
0x12d: {  	s20 =	simm.s32 $0xBC00  }
0x12e: {  	[tilespmem:s20], [sflag:$0x1] =	stream.indirect_vreg.gather [hbm4b:s4+s2], $0x80, v3, vm0, $0xb8;
	[tilespmem:$0x1E800] =	vst v63  }
0x12f: {  	_ = 	snop  }
0x130: {  	[tilespmem:s21], [sflag:$0x1] =	stream.indirect_vreg.gather [hbm4b:s7+s2], $0x80, v3, vm1, $0xb8;
	[tilespmem:$0x1E800] =	vst v63  }
0x131: {  	v3 =	vld.msk [tilespmem:s15+$0x130], $0xff;
	_ =	sdelay $0x4  }
0x132: {  	v63 =	vshrl.u32 v3, $0x3  }
0x133: {  	v4 =	vmul.u32 $0x18, v63  }
0x134: {  	v3 =	vand.u32 $0x7, v3  }
0x135: {  	v3 =	vor.u32 v3, v4  }
0x136: {  	v3 =	vperm.xlane v3, v0;
	_ =	sdelay $0x1  }
0x137: {  	v3 =	vadd.s32 v1, v3;
	_ =	sdelay $0x4  }
0x138: {  	[tilespmem:s22], [sflag:$0x1] =	stream.indirect_vreg.gather [hbm4b:s4+s2], $0x80, v3, vm0, $0xb8;
	[tilespmem:$0x1E800] =	vst v63  }
0x139: {  	_ = 	snop  }
0x13a: {  	[tilespmem:s23], [sflag:$0x1] =	stream.indirect_vreg.gather [hbm4b:s7+s2], $0x80, v3, vm1, $0xb8;
	[tilespmem:$0x1E800] =	vst v63  }
.LBB2_6:
0x13b: {  	_ =	swait.ge [sflag:s12], $0x5400  }
0x13c: {  	[sflag:s12] =	ssyncset.done $0x0  }
0x13d: {  	[sflag:s12] =	ssyncadd.s32 $0xFFFFAC00  }
0x13e: {  	v13 =	vld [tilespmem:$0xD400]  }
0x13f: {  	v14 =	vld [tilespmem:$0xD410]  }
0x140: {  	v15 =	vld [tilespmem:$0xD420]  }
0x141: {  	v16 =	vld [tilespmem:$0xD430]  }
0x142: {  	v17 =	vld [tilespmem:$0xD440]  }
0x143: {  	v23 =	vld [tilespmem:$0xD450]  }
0x144: {  	v26 =	vld [tilespmem:$0xD460]  }
0x145: {  	v27 =	vld [tilespmem:$0xD470]  }
0x146: {  	v28 =	vld [tilespmem:$0xD800]  }
0x147: {  	v12 =	vld [tilespmem:$0xD810]  }
0x148: {  	v11 =	vld [tilespmem:$0xD820]  }
0x149: {  	v9 =	vld [tilespmem:$0xD830]  }
0x14a: {  	v8 =	vld [tilespmem:$0xD840]  }
0x14b: {  	v7 =	vld [tilespmem:$0xD850]  }
0x14c: {  	s15 =	simm.s32 $0x0;
	v6 =	vld [tilespmem:$0xD860]  }
0x14d: {  	s15 =	smul.u32 $0x3000, s15;
	v5 =	vld [tilespmem:$0xD870]  }
0x14e: {  	s16 =	simm.s32 $0x80;
	v4 =	vld [tilespmem:$0xDC00]  }
0x14f: {  	s17 =	sand.u32 $0x380, s16;
	v3 =	vld [tilespmem:$0xDC10];
	s15 =	sshra.s32 s15, $0x2  }
0x150: {  	v10 =	vld [tilespmem:$0xDC20];
	s17 =	sor.u32 s17, s15  }
0x151: {  	v18 =	vld [tilespmem:s17+$0xDC20]  }
0x152: {  	v19 =	vld [tilespmem:s17+$0xD400]  }
0x153: {  	v20 =	vld [tilespmem:s17+$0xD410]  }
0x154: {  	v22 =	vld [tilespmem:s17+$0xD420]  }
0x155: {  	v29 =	vld [tilespmem:s17+$0xD430]  }
0x156: {  	v30 =	vld [tilespmem:s17+$0xD440]  }
0x157: {  	v31 =	vld [tilespmem:s17+$0xD450]  }
0x158: {  	v32 =	vld [tilespmem:s17+$0xD460]  }
0x159: {  	v33 =	vld [tilespmem:s17+$0xD470]  }
0x15a: {  	v34 =	vld [tilespmem:s17+$0xD800]  }
0x15b: {  	v25 =	vld [tilespmem:s17+$0xD810]  }
0x15c: {  	v24 =	vld [tilespmem:s17+$0xD820];
	v10 =	vmax.f32 v10, v18  }
0x15d: {  	v21 =	vmax.f32 v13, v19;
	v20 =	vmax.f32 v14, v20;
	v18 =	vmax.f32 v15, v22;
	v22 =	vld [tilespmem:s17+$0xD830]  }
0x15e: {  	v19 =	vmax.f32 v16, v29;
	v17 =	vmax.f32 v17, v30;
	v13 =	vmax.f32 v23, v31;
	v23 =	vld [tilespmem:s17+$0xD840]  }
0x15f: {  	s19 =	simm.s32 $0x0;
	s18 =	simm.s32 $0x3;
	s15 =	sshll.u32 s13, $0x1;
	v14 =	vmax.f32 v26, v32;
	v15 =	vmax.f32 v27, v33;
	v16 =	vmax.f32 v28, v34;
	v26 =	vld [tilespmem:s17+$0xD850]  }
.LBB2_7:
0x160: {  	p1 =	sne.s32 s18, $0x37;
	s19 =	smul.u32 $0x3000, s19;
	v12 =	vmax.f32 v12, v25;
	v25 =	vld [tilespmem:s17+$0xD860]  }
0x161: {  	s16 =	sadd.s32 $0x80, s16;
	v11 =	vmax.f32 v11, v24;
	v24 =	vld [tilespmem:s17+$0xD870]  }
0x162: {  	s20 =	sand.u32 $0x380, s16;
	s19 =	sshra.s32 s19, $0x2;
	v9 =	vmax.f32 v9, v22;
	v22 =	vld [tilespmem:s17+$0xDC00]  }
0x163: {  	v8 =	vmax.f32 v8, v23;
	v23 =	vld [tilespmem:s17+$0xDC10];
	s17 =	sor.u32 s20, s19  }
0x164: {  	v27 =	vld [tilespmem:s17+$0xDC20];
	v7 =	vmax.f32 v7, v26  }
0x165: {  	v26 =	vld [tilespmem:s17+$0xD400];
	v6 =	vmax.f32 v6, v25  }
0x166: {  	v25 =	vld [tilespmem:s17+$0xD410];
	v5 =	vmax.f32 v5, v24  }
0x167: {  	v24 =	vld [tilespmem:s17+$0xD420];
	v4 =	vmax.f32 v4, v22  }
0x168: {  	v22 =	vld [tilespmem:s17+$0xD430];
	v3 =	vmax.f32 v3, v23  }
0x169: {  	v23 =	vld [tilespmem:s17+$0xD440];
	v10 =	vmax.f32 v10, v27  }
0x16a: {  	v21 =	vmax.f32 v21, v26;
	v26 =	vld [tilespmem:s17+$0xD450]  }
0x16b: {  	v20 =	vmax.f32 v20, v25;
	v27 =	vld [tilespmem:s17+$0xD460]  }
0x16c: {  	v18 =	vmax.f32 v18, v24;
	v28 =	vld [tilespmem:s17+$0xD470]  }
0x16d: {  	v19 =	vmax.f32 v19, v22;
	v29 =	vld [tilespmem:s17+$0xD800]  }
.Ltmp6:
0x16e: {  	v17 =	vmax.f32 v17, v23;
	v25 =	vld [tilespmem:s17+$0xD810];
	(pc) =	sbr.rel @p1 .LBB2_7-.Ltmp6, $4  }
0x16f: {  	v13 =	vmax.f32 v13, v26;
	v24 =	vld [tilespmem:s17+$0xD820]  }
0x170: {  	v14 =	vmax.f32 v14, v27;
	v22 =	vld [tilespmem:s17+$0xD830]  }
0x171: {  	v15 =	vmax.f32 v15, v28;
	v23 =	vld [tilespmem:s17+$0xD840]  }
0x172: {  	s19 =	sshrl.u32 s18, $0x3;
	s18 =	sadd.s32 $0x1, s18;
	v16 =	vmax.f32 v16, v29;
	v26 =	vld [tilespmem:s17+$0xD850]  }
0x173: {  	s18 =	smul.u32 $0x3000, s19;
	v27 =	vld [tilespmem:s17+$0xD860]  }
0x174: {  	v28 =	vld [tilespmem:s17+$0xD870];
	s16 =	sadd.s32 $0x80, s16  }
0x175: {  	v29 =	vld [tilespmem:s17+$0xDC00];
	s16 =	sand.u32 $0x380, s16;
	s18 =	sshra.s32 s18, $0x2  }
0x176: {  	v30 =	vld [tilespmem:s17+$0xDC10];
	s18 =	sor.u32 s16, s18  }
0x177: {  	v31 =	vld [tilespmem:s18+$0xDC20]  }
0x178: {  	v32 =	vld [tilespmem:s18+$0xD400]  }
0x179: {  	v33 =	vld [tilespmem:s18+$0xD410]  }
0x17a: {  	v34 =	vld [tilespmem:s18+$0xD420]  }
0x17b: {  	v35 =	vld [tilespmem:s18+$0xD430]  }
0x17c: {  	v36 =	vld [tilespmem:s18+$0xD440]  }
0x17d: {  	v37 =	vld [tilespmem:s18+$0xD450]  }
0x17e: {  	v38 =	vld [tilespmem:s18+$0xD460]  }
0x17f: {  	v39 =	vld [tilespmem:s18+$0xD470]  }
0x180: {  	v40 =	vld [tilespmem:s18+$0xD800]  }
0x181: {  	v41 =	vld [tilespmem:s18+$0xD810]  }
0x182: {  	s17 =	sor.u32 $0x1, s15;
	v42 =	vld [tilespmem:s18+$0xD820]  }
0x183: {  	s16 =	sand.u32 $0x7F, s17;
	v43 =	vld [tilespmem:s18+$0xD830]  }
0x184: {  	v44 =	vld [tilespmem:s18+$0xD840];
	s20 =	sshrl.u32 s16, $0x3  }
0x185: {  	v45 =	vld [tilespmem:s18+$0xD850];
	s19 =	smul.u32 $0x3000, s20  }
0x186: {  	s17 =	sshll.u32 s17, $0x7;
	v46 =	vld [tilespmem:s18+$0xD860]  }
0x187: {  	v47 =	vld [tilespmem:s18+$0xD870];
	s17 =	sand.u32 $0x380, s17;
	s19 =	sshrl.u32 s19, $0x2  }
0x188: {  	v48 =	vld [tilespmem:s18+$0xDC00];
	s17 =	sor.u32 s17, s19;
	v21 =	vmax.f32 v21, v32  }
0x189: {  	v49 =	vld [tilespmem:s18+$0xDC10];
	s20 =	sadd.s32 $0x12800, s17;
	v17 =	vmax.f32 v17, v36;
	[tilespmem:s17+$0x12800] =	vst v21  }
0x18a: {  	v13 =	vmax.f32 v13, v37;
	[tilespmem:s20+$0x40] =	vst v17  }
0x18b: {  	v14 =	vmax.f32 v14, v38;
	[tilespmem:s20+$0x50] =	vst v13  }
0x18c: {  	v61 =	vmax.f32 v15, v39;
	[tilespmem:s20+$0x60] =	vst v14  }
0x18d: {  	v20 =	vmax.f32 v20, v33;
	[tilespmem:s20+$0x70] =	vst v61  }
0x18e: {  	v18 =	vmax.f32 v18, v34;
	[tilespmem:s20+$0x10] =	vst v20  }
0x18f: {  	v19 =	vmax.f32 v19, v35;
	[tilespmem:s20+$0x20] =	vst v18  }
0x190: {  	v8 =	vmax.f32 v8, v23;
	v62 =	vmax.f32 v16, v40;
	[tilespmem:s20+$0x30] =	vst v19  }
0x191: {  	v7 =	vmax.f32 v7, v26;
	s19 =	sadd.s32 $0x12C00, s17;
	v8 =	vmax.f32 v8, v44;
	[tilespmem:s17+$0x12C00] =	vst v62  }
0x192: {  	v6 =	vmax.f32 v6, v27;
	v7 =	vmax.f32 v7, v45;
	[tilespmem:s19+$0x40] =	vst v8  }
0x193: {  	v5 =	vmax.f32 v5, v28;
	v6 =	vmax.f32 v6, v46;
	[tilespmem:s19+$0x50] =	vst v7  }
0x194: {  	v12 =	vmax.f32 v12, v25;
	v5 =	vmax.f32 v5, v47;
	[tilespmem:s19+$0x60] =	vst v6  }
0x195: {  	v11 =	vmax.f32 v11, v24;
	v12 =	vmax.f32 v12, v41;
	[tilespmem:s19+$0x70] =	vst v5  }
0x196: {  	v9 =	vmax.f32 v9, v22;
	v11 =	vmax.f32 v11, v42;
	[tilespmem:s19+$0x10] =	vst v12  }
.Ltmp7:
0x197: {  	v4 =	vmax.f32 v4, v29;
	v9 =	vmax.f32 v9, v43;
	[tilespmem:s19+$0x20] =	vst v11;
	(pc) =	sbr.rel @p0 .LBB2_10-.Ltmp7, $4  }
0x198: {  	v3 =	vmax.f32 v3, v30;
	v4 =	vmax.f32 v4, v48;
	[tilespmem:s19+$0x30] =	vst v9  }
0x199: {  	v3 =	vmax.f32 v3, v49;
	s20 =	sadd.s32 $0x13000, s17;
	[tilespmem:s17+$0x13000] =	vst v4  }
0x19a: {  	v63 =	vmax.f32 v10, v31;
	[tilespmem:s20+$0x10] =	vst v3  }
0x19b: {  	[tilespmem:s20+$0x20] =	vst v63  }
0x19c: {  	s14 =	sand.u32 $0x3FFFFF00, s14  }
0x19d: {  	v3 =	vld [tilespmem:s14+$0x180];
	_ =	sdelay $0x4  }
0x19e: {  	v4 =	vshrl.u32 v3, $0x3  }
0x19f: {  	v4 =	vmul.u32 $0x18, v4  }
0x1a0: {  	v3 =	vand.u32 $0x7, v3  }
0x1a1: {  	v3 =	vor.u32 v3, v4  }
0x1a2: {  	v4 =	vperm.xlane v3, v0;
	_ =	sdelay $0x1  }
0x1a3: {  	v4 =	vadd.s32 v1, v4;
	_ =	sdelay $0x1  }
0x1a4: {  	v3 =	vperm.xlane v3, v2;
	_ =	sdelay $0x1  }
0x1a5: {  	v3 =	vadd.s32 v1, v3  }
0x1a6: {  	[tilespmem:s24], [sflag:$0x2] =	stream.indirect_vreg.gather [hbm4b:s4+s2], $0x80, v4, vm0, $0xb8;
	[tilespmem:$0x1E800] =	vst v63  }
0x1a7: {  	_ = 	snop  }
0x1a8: {  	[tilespmem:s25], [sflag:$0x2] =	stream.indirect_vreg.gather [hbm4b:s7+s2], $0x80, v4, vm1, $0xb8;
	[tilespmem:$0x1E800] =	vst v63  }
0x1a9: {  	_ = 	snop  }
0x1aa: {  	[tilespmem:s26], [sflag:$0x2] =	stream.indirect_vreg.gather [hbm4b:s4+s2], $0x80, v3, vm0, $0xb8;
	[tilespmem:$0x1E800] =	vst v63  }
0x1ab: {  	_ = 	snop  }
0x1ac: {  	[tilespmem:s28], [sflag:$0x2] =	stream.indirect_vreg.gather [hbm4b:s7+s2], $0x80, v3, vm1, $0xb8;
	[tilespmem:$0x1E800] =	vst v63  }
0x1ad: {  	v3 =	vld [tilespmem:s14+$0x190];
	_ =	sdelay $0x4  }
0x1ae: {  	v61 =	vshrl.u32 v3, $0x3  }
0x1af: {  	v4 =	vmul.u32 $0x18, v61  }
0x1b0: {  	v3 =	vand.u32 $0x7, v3  }
0x1b1: {  	v3 =	vor.u32 v3, v4  }
0x1b2: {  	v4 =	vperm.xlane v3, v0;
	_ =	sdelay $0x1  }
0x1b3: {  	v4 =	vadd.s32 v1, v4;
	_ =	sdelay $0x1  }
0x1b4: {  	v3 =	vperm.xlane v3, v2;
	_ =	sdelay $0x1  }
0x1b5: {  	v3 =	vadd.s32 v1, v3  }
0x1b6: {  	[tilespmem:s29], [sflag:$0x2] =	stream.indirect_vreg.gather [hbm4b:s4+s2], $0x80, v4, vm0, $0xb8;
	[tilespmem:$0x1E800] =	vst v63  }
0x1b7: {  	_ = 	snop  }
0x1b8: {  	[tilespmem:s30], [sflag:$0x2] =	stream.indirect_vreg.gather [hbm4b:s7+s2], $0x80, v4, vm1, $0xb8;
	[tilespmem:$0x1E800] =	vst v63  }
0x1b9: {  	_ = 	snop  }
0x1ba: {  	[tilespmem:s31], [sflag:$0x2] =	stream.indirect_vreg.gather [hbm4b:s4+s2], $0x80, v3, vm0, $0xb8;
	[tilespmem:$0x1E800] =	vst v63  }
0x1bb: {  	_ = 	snop  }
0x1bc: {  	[tilespmem:s0], [sflag:$0x2] =	stream.indirect_vreg.gather [hbm4b:s7+s2], $0x80, v3, vm1, $0xb8;
	[tilespmem:$0x1E800] =	vst v63  }
0x1bd: {  	v3 =	vld [tilespmem:s14+$0x1A0];
	_ =	sdelay $0x4  }
0x1be: {  	v62 =	vshrl.u32 v3, $0x3  }
0x1bf: {  	v4 =	vmul.u32 $0x18, v62  }
0x1c0: {  	v3 =	vand.u32 $0x7, v3  }
0x1c1: {  	v3 =	vor.u32 v3, v4  }
0x1c2: {  	v4 =	vperm.xlane v3, v0;
	_ =	sdelay $0x1  }
0x1c3: {  	v4 =	vadd.s32 v1, v4;
	_ =	sdelay $0x1  }
0x1c4: {  	v3 =	vperm.xlane v3, v2;
	_ =	sdelay $0x1  }
0x1c5: {  	v3 =	vadd.s32 v1, v3  }
0x1c6: {  	[tilespmem:s1], [sflag:$0x2] =	stream.indirect_vreg.gather [hbm4b:s4+s2], $0x80, v4, vm0, $0xb8;
	[tilespmem:$0x1E800] =	vst v63  }
0x1c7: {  	_ = 	snop  }
0x1c8: {  	[tilespmem:s6], [sflag:$0x2] =	stream.indirect_vreg.gather [hbm4b:s7+s2], $0x80, v4, vm1, $0xb8;
	[tilespmem:$0x1E800] =	vst v63  }
0x1c9: {  	_ = 	snop  }
0x1ca: {  	[tilespmem:s8], [sflag:$0x2] =	stream.indirect_vreg.gather [hbm4b:s4+s2], $0x80, v3, vm0, $0xb8;
	[tilespmem:$0x1E800] =	vst v63  }
0x1cb: {  	_ = 	snop  }
0x1cc: {  	[tilespmem:s9], [sflag:$0x2] =	stream.indirect_vreg.gather [hbm4b:s7+s2], $0x80, v3, vm1, $0xb8;
	[tilespmem:$0x1E800] =	vst v63  }
0x1cd: {  	v3 =	vld.msk [tilespmem:s14+$0x1B0], $0xff;
	_ =	sdelay $0x4  }
0x1ce: {  	v63 =	vshrl.u32 v3, $0x3  }
0x1cf: {  	v4 =	vmul.u32 $0x18, v63  }
0x1d0: {  	v3 =	vand.u32 $0x7, v3  }
0x1d1: {  	v3 =	vor.u32 v3, v4  }
0x1d2: {  	v3 =	vperm.xlane v3, v0;
	_ =	sdelay $0x1  }
0x1d3: {  	v3 =	vadd.s32 v1, v3;
	_ =	sdelay $0x2  }
.Ltmp8:
0x1d4: {  	_ = 	snop;
	(pc) =	sbr.rel .LBB2_10-.Ltmp8, $4  }
0x1d5: {  	_ = 	snop  }
0x1d6: {  	[tilespmem:s10], [sflag:$0x2] =	stream.indirect_vreg.gather [hbm4b:s4+s2], $0x80, v3, vm0, $0xb8;
	[tilespmem:$0x1E800] =	vst v63  }
0x1d7: {  	_ = 	snop  }
0x1d8: {  	[tilespmem:s11], [sflag:$0x2] =	stream.indirect_vreg.gather [hbm4b:s7+s2], $0x80, v3, vm1, $0xb8;
	[tilespmem:$0x1E800] =	vst v63  }
.LBB2_12:
0x1d9: {  	_ =	sfence.sel $0x180000  }
0x1da: {  	[bflag:$0x0] =	sbarrier.arrive $0xFFFF  }
0x1db: {  	_ =	strace $0x90000047  }
0x1dc: {  	s0 =	stileid.u32;
	[bflag:$0x2] =	sbarrier.arrive $0xFFFF  }
0x1dd: {  	p0 =	sne.s32 s0, $0x0;
	s0 =	rddreg [dreg:$0x1]  }
0x1de: {  	s0 =	sadd.s32 @!p0 $0x100000, s0  }
0x1df: {  	[sflag:s0] =	ssyncadd.tile.s32 @!p0 $0x1;
	_ =	shalt  }
.Lfunc_end2:
_tile_overlayer_lowered:
.L_overlay_start_2:
0x1e0: {  	(tag) =	ssettag $0x2  }
0x1e1: {  	s0 =	rddreg [dreg:$0x0];
	s2 =	stileid.u32  }
0x1e2: {  	s1 =	rddreg [dreg:$0x1];
	p0 =	sne.s32 s2, $0x0  }
0x1e3: {  	s3 =	rddreg [dreg:$0x2];
	[bflag:$0x3] =	sbarrier.arrive $0xFFFF;
	s2 =	simm.s32 @!p0 $0x1C03  }
0x1e4: {  	[timem:s3], [sflag:s2] =	dma.local @!p0 [hbm:s0], s1  }
0x1e5: {  	s0 =	simm.s32 @!p0 $0x3  }
0x1e6: {  	_ =	swait.ge @!p0 [sflag:s0], s1  }
0x1e7: {  	s1 =	ssub.s32 @!p0 $0x0, s1;
	[sflag:s0] =	ssyncset.done @!p0 $0x0  }
0x1e8: {  	[sflag:s0] =	ssyncadd.s32 @!p0 s1  }
0x1e9: {  	[bflag:$0x3] =	sbarrier.arrive $0xFFFF  }
0x1ea: {  	_ =	shalt  }

</sc_bundles>
